<compile_context>
chip_gen: v7x
topology: tpu7x:2x2x1
jax: 0.10.2.dev20260603
libtpu: 0.0.44.dev20260713+nightly
codegen_flags: <defaults>
</compile_context>

<pallas_src>
import functools

import jax
import jax.numpy as jnp
from jax import lax
from jax.experimental import pallas as pl
from jax.experimental.pallas import tpu as pltpu
from jax.experimental.pallas import tpu_sc as plsc

NC = 2
NS = 16
NT = NC * NS
CK = 128


def _make_sc_agg(D, CHA, CHB, SEGP):
    RPS = SEGP // NS

    mesh = plsc.VectorSubcoreMesh(
        core_axis_name="c", subcore_axis_name="s",
        num_cores=NC, num_subcores=NS)

    @functools.partial(
        pl.kernel,
        out_type=[jax.ShapeDtypeStruct((NC * SEGP, D), jnp.float32),
                  jax.ShapeDtypeStruct((NC * SEGP, D), jnp.float32)],
        mesh=mesh,
        scratch_types=[
            pltpu.VMEM((CK,), jnp.int32),
            pltpu.VMEM((CK,), jnp.int32),
            pltpu.VMEM((CK, D), jnp.float32),
            pltpu.VMEM((CK, D), jnp.float32),
            pltpu.VMEM_SHARED((SEGP, D), jnp.float32),
            pltpu.VMEM_SHARED((SEGP, D), jnp.float32),
            pltpu.SemaphoreType.DMA,
        ],
    )
    def kfn(table, srcI, dstI, z, ones_h, out_agg, out_deg,
            idx_sc, idx_dc, rows, ones_v, agg_sh, deg_sh, sem):
        c = lax.axis_index("c")
        s = lax.axis_index("s")
        my_ch = jnp.where(c == 0, CHA, CHB)
        base = jnp.where(c == 0, s * CHA, NS * CHA + s * CHB)
        pltpu.sync_copy(ones_h, ones_v)
        pltpu.sync_copy(z, agg_sh.at[pl.ds(s * RPS, RPS)])
        pltpu.sync_copy(z, deg_sh.at[pl.ds(s * RPS, RPS)])
        plsc.subcore_barrier()

        def body(j, carry):
            pltpu.sync_copy(srcI.at[base + j], idx_sc)
            pltpu.sync_copy(dstI.at[base + j], idx_dc)
            pltpu.async_copy(table.at[idx_sc], rows, sem).wait()
            pltpu.sync_copy(rows, agg_sh.at[idx_dc], add=True)
            pltpu.sync_copy(ones_v, deg_sh.at[idx_dc], add=True)
            return carry

        lax.fori_loop(0, my_ch, body, 0)
        plsc.subcore_barrier()
        pltpu.sync_copy(agg_sh.at[pl.ds(s * RPS, RPS)],
                        out_agg.at[pl.ds(c * SEGP + s * RPS, RPS)])
        pltpu.sync_copy(deg_sh.at[pl.ds(s * RPS, RPS)],
                        out_deg.at[pl.ds(c * SEGP + s * RPS, RPS)])

    return kfn


def _dot(a, b):
    return lax.dot_general(a, b, (((1,), (0,)), ((), ())),
                           precision=lax.Precision.HIGHEST,
                           preferred_element_type=jnp.float32)


def _make_tc_linear(NDST, SEGP, D_IN, D_OUT):

    def body(hd_ref, pA_ref, pD_ref, wS_ref, wN_ref, b_ref, out_ref):
        agg = pA_ref[:NDST, :] + pA_ref[SEGP:SEGP + NDST, :]
        deg = pD_ref[:NDST, :1] + pD_ref[SEGP:SEGP + NDST, :1]
        neigh = agg / jnp.maximum(deg, 1.0)
        z = (_dot(hd_ref[:NDST, :], wS_ref[...]) + _dot(neigh, wN_ref[...])
             + b_ref[...])
        out_ref[...] = jnp.maximum(z, 0.0)

    return pl.pallas_call(
        body, out_shape=jax.ShapeDtypeStruct((NDST, D_OUT), jnp.float32))


def _pad_edges(src, dst, segp, frac0):
    e = src.shape[0]
    e0 = (int(e * frac0) // CK) * CK

    def block(s_, d_):
        eb = s_.shape[0]
        ch = -(-eb // (NS * CK))
        pad = NS * ch * CK - eb
        s_ = jnp.concatenate([s_, jnp.zeros((pad,), jnp.int32)])
        d_ = jnp.concatenate([d_, jnp.full((pad,), segp - 1, jnp.int32)])
        return s_.reshape(NS * ch, CK), d_.reshape(NS * ch, CK), ch

    sa, da, cha = block(src[:e0], dst[:e0])
    sb, db, chb = block(src[e0:], dst[e0:])
    return (jnp.concatenate([sa, sb]), jnp.concatenate([da, db]), cha, chb)


SEG0P = 5120
SEG1P = 1024


def kernel(h, src0, dst0, src1, dst1, num_dst0, num_dst1, W0, b0, W1, b1):
    h = h.astype(jnp.float32)
    src0 = src0.astype(jnp.int32)
    dst0 = dst0.astype(jnp.int32)
    src1 = src1.astype(jnp.int32)
    dst1 = dst1.astype(jnp.int32)

    d_in = h.shape[1]
    d_h = W0.shape[0]
    d_out = W1.shape[0]

    srcI0, dstI0, ch0a, ch0b = _pad_edges(src0, dst0, SEG0P, 0.37)
    srcI1, dstI1, ch1a, ch1b = _pad_edges(src1, dst1, SEG1P, 0.50)

    z0 = jnp.zeros((SEG0P // NS, d_in), jnp.float32)
    z1 = jnp.zeros((SEG1P // NS, d_h), jnp.float32)
    ones = jnp.ones((CK, d_in), jnp.float32)

    sc0 = _make_sc_agg(d_in, ch0a, ch0b, SEG0P)
    sc1 = _make_sc_agg(d_h, ch1a, ch1b, SEG1P)
    tc0 = _make_tc_linear(5000, SEG0P, d_in, d_h)
    tc1 = _make_tc_linear(1000, SEG1P, d_h, d_out)

    w0S, w0N = W0[:, :d_in].T, W0[:, d_in:].T
    w1S, w1N = W1[:, :d_h].T, W1[:, d_h:].T

    pA0, pD0 = sc0(h, srcI0, dstI0, z0, ones)
    h1 = tc0(h[:5000], pA0, pD0, w0S, w0N, b0.reshape(1, d_h))
    pA1, pD1 = sc1(h1, srcI1, dstI1, z1, ones)
    h2 = tc1(h1[:1000], pA1, pD1, w1S, w1N, b1.reshape(1, d_out))
    return h2

# --- scband reference (transcript-rebuilt; emitter-appended) ---
"""Pipeline reference for scband-my-gcn-86749749444625 (READ-ONLY COPY).

The authoritative reference and input builder live on the scoring server;
editing this copy changes nothing except your own understanding.
"""

import jax, jax.numpy as jnp
import numpy as np


def _graph_conv(h, src, dst, num_dst, num_dst_static, W, b):
    # DGL block semantics: dst nodes are a prefix of src nodes
    h_dst = h[:num_dst_static]
    # copy_u: message = h_src gathered along edges
    msg = jnp.take(h, src, axis=0)
    # mean aggregation over in-edges of each dst node
    dst_in = jnp.where(dst < num_dst, dst, num_dst_static)
    agg = jax.ops.segment_sum(msg, dst_in, num_segments=num_dst_static)
    deg = jax.ops.segment_sum(jnp.ones((src.shape[0],), jnp.float32), dst_in, num_segments=num_dst_static)
    h_neigh = agg / jnp.maximum(deg, 1.0)[:, None]
    # Linear over concat([h_dst, h_neigh]) then ReLU (default activation for all layers)
    return jax.nn.relu(jnp.concatenate([h_dst, h_neigh], axis=1) @ W.T + b)


def setup_inputs(seed: int = 0) -> dict:
    key = jax.random.key(seed)
    ks = jax.random.split(key, 8)
    N0, N1, N2 = 10000, 5000, 1000
    E0, E1 = 320000, 64000
    d_in, d_h, d_out = 128, 128, 64
    h = jax.random.normal(ks[0], (N0, d_in), dtype=jnp.float32)
    src0 = jax.random.randint(ks[1], (E0,), 0, N0, dtype=jnp.int64) if jax.config.jax_enable_x64 else jax.random.randint(ks[1], (E0,), 0, N0).astype(jnp.int32)
    dst0 = jax.random.randint(ks[2], (E0,), 0, N1).astype(src0.dtype)
    src1 = jax.random.randint(ks[3], (E1,), 0, N1).astype(src0.dtype)
    dst1 = jax.random.randint(ks[4], (E1,), 0, N2).astype(src0.dtype)
    W0 = jax.random.normal(ks[5], (d_h, 2 * d_in), dtype=jnp.float32) / np.sqrt(2.0 * d_in)
    b0 = jnp.zeros((d_h,), jnp.float32)
    W1 = jax.random.normal(ks[6], (d_out, 2 * d_h), dtype=jnp.float32) / np.sqrt(2.0 * d_h)
    b1 = jnp.zeros((d_out,), jnp.float32)
    return {"h": h, "src0": src0, "dst0": dst0, "src1": src1, "dst1": dst1,
            "num_dst0": N1, "num_dst1": N2,
            "W0": W0, "b0": b0, "W1": W1, "b1": b1}


def reference(h, src0, dst0, src1, dst1, num_dst0, num_dst1, W0, b0, W1, b1):
    h1 = _graph_conv(h, src0, dst0, num_dst0, 5000, W0, b0)
    h2 = _graph_conv(h1, src1, dst1, num_dst1, 1000, W1, b1)
    return h2

if __name__ == "__main__":
    import jax
    _d = setup_inputs()
    print(jax.jit(kernel)(*tuple(_d.values())))

</pallas_src>

<mosaic_0001>
#map = affine_map<(d0, d1) -> (0, 0)>
module attributes {stable_mosaic.version = 14 : i64} {
  func.func @kfn(%arg0: i32, %arg1: i32, %arg2: memref<10000x128xf32, #tpu.memory_space<hbm>>, %arg3: memref<2512x128xi32, #tpu.memory_space<hbm>>, %arg4: memref<2512x128xi32, #tpu.memory_space<hbm>>, %arg5: memref<320x128xf32, #tpu.memory_space<hbm>>, %arg6: memref<128x128xf32, #tpu.memory_space<hbm>>, %arg7: memref<10240x128xf32, #tpu.memory_space<hbm>>, %arg8: memref<10240x128xf32, #tpu.memory_space<hbm>>, %arg9: memref<128xi32, #tpu.memory_space<vmem>>, %arg10: memref<128xi32, #tpu.memory_space<vmem>>, %arg11: memref<128x128xf32, #tpu.memory_space<vmem>>, %arg12: memref<128x128xf32, #tpu.memory_space<vmem>>, %arg13: memref<5120x128xf32, #tpu.memory_space<vmem_shared>>, %arg14: memref<5120x128xf32, #tpu.memory_space<vmem_shared>>, %arg15: memref<!tpu.dma_semaphore, #tpu.memory_space<semaphore_mem>>) attributes {dimension_semantics = [#tpu.dimension_semantics<core_parallel>, #tpu.dimension_semantics<subcore_parallel>], iteration_bounds = array<i64: 2, 16>, scalar_prefetch = 0 : i64, scratch_operands = 7 : i64, tpu.core_type = #tpu.core_type<sc_vector_subcore>, window_params = [{transform_indices = #map}, {transform_indices = #map}, {transform_indices = #map}, {transform_indices = #map}, {transform_indices = #map}, {transform_indices = #map}, {transform_indices = #map}]} {
    %eq3A = arith.constant 0 : i32
    %eq3A_0 = arith.cmpi eq, %arg0, %eq3A : i32
    %jit3A = arith.constant 58 : i32
    %jit3A_1 = arith.constant 99 : i32
    %select_n3A = arith.select %eq3A_0, %jit3A, %jit3A_1 : i32
    %eq3A_2 = arith.constant 0 : i32
    %eq3A_3 = arith.cmpi eq, %arg0, %eq3A_2 : i32
    %mul3A = arith.constant 58 : i32
    %mul3A_4 = arith.muli %arg1, %mul3A : i32
    %mul3A_5 = arith.constant 99 : i32
    %mul3A_6 = arith.muli %arg1, %mul3A_5 : i32
    %add3A = arith.constant 928 : i32
    %add3A_7 = arith.addi %add3A, %mul3A_6 : i32
    %select_n3A_8 = arith.select %eq3A_3, %mul3A_4, %add3A_7 : i32
    "tpu.region"() ({
      %run_scoped3A = tpu.sem_alloc : memref<!tpu.dma_semaphore, #tpu.memory_space<semaphore_mem>>
      tpu.enqueue_dma source(%arg6 : memref<128x128xf32, #tpu.memory_space<hbm>>) target(%arg12 : memref<128x128xf32, #tpu.memory_space<vmem>>) target_semaphore(%run_scoped3A : memref<!tpu.dma_semaphore, #tpu.memory_space<semaphore_mem>>)
      tpu.wait_dma2 semaphore(%run_scoped3A : memref<!tpu.dma_semaphore, #tpu.memory_space<semaphore_mem>>) src(%arg6 : memref<128x128xf32, #tpu.memory_space<hbm>>) dst(%arg12 : memref<128x128xf32, #tpu.memory_space<vmem>>)
      tpu.yield
    }) : () -> ()
    %mul3A_9 = arith.constant 320 : i32
    %mul3A_10 = arith.muli %arg1, %mul3A_9 : i32
    "tpu.region"() ({
      %run_scoped3A = tpu.sem_alloc : memref<!tpu.dma_semaphore, #tpu.memory_space<semaphore_mem>>
      %dma_start3A = arith.constant 0 : i32
      %dma_start3A_37 = tpu.memref_slice %arg13[%mul3A_10, %dma_start3A] : memref<5120x128xf32, #tpu.memory_space<vmem_shared>> -> memref<320x128xf32, #tpu.memory_space<vmem_shared>>
      tpu.enqueue_dma source(%arg5 : memref<320x128xf32, #tpu.memory_space<hbm>>) target(%dma_start3A_37 : memref<320x128xf32, #tpu.memory_space<vmem_shared>>) target_semaphore(%run_scoped3A : memref<!tpu.dma_semaphore, #tpu.memory_space<semaphore_mem>>)
      %dma_wait3A = arith.constant 0 : i32
      %dma_wait3A_38 = tpu.memref_slice %arg13[%mul3A_10, %dma_wait3A] : memref<5120x128xf32, #tpu.memory_space<vmem_shared>> -> memref<320x128xf32, #tpu.memory_space<vmem_shared>>
      tpu.wait_dma2 semaphore(%run_scoped3A : memref<!tpu.dma_semaphore, #tpu.memory_space<semaphore_mem>>) src(%arg5 : memref<320x128xf32, #tpu.memory_space<hbm>>) dst(%dma_wait3A_38 : memref<320x128xf32, #tpu.memory_space<vmem_shared>>)
      tpu.yield
    }) : () -> ()
    %mul3A_11 = arith.constant 320 : i32
    %mul3A_12 = arith.muli %arg1, %mul3A_11 : i32
    "tpu.region"() ({
      %run_scoped3A = tpu.sem_alloc : memref<!tpu.dma_semaphore, #tpu.memory_space<semaphore_mem>>
      %dma_start3A = arith.constant 0 : i32
      %dma_start3A_37 = tpu.memref_slice %arg14[%mul3A_12, %dma_start3A] : memref<5120x128xf32, #tpu.memory_space<vmem_shared>> -> memref<320x128xf32, #tpu.memory_space<vmem_shared>>
      tpu.enqueue_dma source(%arg5 : memref<320x128xf32, #tpu.memory_space<hbm>>) target(%dma_start3A_37 : memref<320x128xf32, #tpu.memory_space<vmem_shared>>) target_semaphore(%run_scoped3A : memref<!tpu.dma_semaphore, #tpu.memory_space<semaphore_mem>>)
      %dma_wait3A = arith.constant 0 : i32
      %dma_wait3A_38 = tpu.memref_slice %arg14[%mul3A_12, %dma_wait3A] : memref<5120x128xf32, #tpu.memory_space<vmem_shared>> -> memref<320x128xf32, #tpu.memory_space<vmem_shared>>
      tpu.wait_dma2 semaphore(%run_scoped3A : memref<!tpu.dma_semaphore, #tpu.memory_space<semaphore_mem>>) src(%arg5 : memref<320x128xf32, #tpu.memory_space<hbm>>) dst(%dma_wait3A_38 : memref<320x128xf32, #tpu.memory_space<vmem_shared>>)
      tpu.yield
    }) : () -> ()
    %barrier3A = arith.constant 0 : index
    tpu.barrier barrier_id(%barrier3A)
    %while3A = arith.constant 0 : i32
    %while3A_13 = arith.constant 0 : i32
    %while3A_14 = arith.subi %select_n3A, %while3A_13 : i32
    %while3A_15 = arith.addi %while3A_13, %while3A_14 : i32
    %while3A_16 = arith.constant 1 : i32
    %while3A_17 = arith.divsi %while3A_14, %while3A_16 : i32
    %while3A_18 = arith.muli %while3A_17, %while3A_16 : i32
    %while3A_19 = arith.addi %while3A_13, %while3A_18 : i32
    %while3A_20 = arith.constant 1 : i32
    scf.for %while3A_37 = %while3A_13 to %while3A_19 step %while3A_20  : i32 {
      %add3A_38 = arith.addi %select_n3A_8, %while3A_37 : i32
      "tpu.region"() ({
        %run_scoped3A = tpu.sem_alloc : memref<!tpu.dma_semaphore, #tpu.memory_space<semaphore_mem>>
        %dma_start3A_44 = arith.constant 0 : i32
        %dma_start3A_45 = tpu.memref_slice %arg3[%add3A_38, %dma_start3A_44] : memref<2512x128xi32, #tpu.memory_space<hbm>> -> memref<1x128xi32, #tpu.memory_space<hbm>>
        %dma_start3A_46 = tpu.memref_squeeze %dma_start3A_45 : memref<1x128xi32, #tpu.memory_space<hbm>> -> memref<128xi32, #tpu.memory_space<hbm>>
        %dma_start3A_47 = arith.constant 0 : i32
        %dma_start3A_48 = tpu.memref_slice %arg3[%add3A_38, %dma_start3A_47] : memref<2512x128xi32, #tpu.memory_space<hbm>> -> memref<1x128xi32, #tpu.memory_space<hbm>>
        %dma_start3A_49 = tpu.memref_squeeze %dma_start3A_48 : memref<1x128xi32, #tpu.memory_space<hbm>> -> memref<128xi32, #tpu.memory_space<hbm>>
        tpu.enqueue_dma source(%dma_start3A_49 : memref<128xi32, #tpu.memory_space<hbm>>) target(%arg9 : memref<128xi32, #tpu.memory_space<vmem>>) target_semaphore(%run_scoped3A : memref<!tpu.dma_semaphore, #tpu.memory_space<semaphore_mem>>)
        %dma_wait3A_50 = arith.constant 0 : i32
        %dma_wait3A_51 = tpu.memref_slice %arg3[%add3A_38, %dma_wait3A_50] : memref<2512x128xi32, #tpu.memory_space<hbm>> -> memref<1x128xi32, #tpu.memory_space<hbm>>
        %dma_wait3A_52 = tpu.memref_squeeze %dma_wait3A_51 : memref<1x128xi32, #tpu.memory_space<hbm>> -> memref<128xi32, #tpu.memory_space<hbm>>
        %dma_wait3A_53 = arith.constant 0 : i32
        %dma_wait3A_54 = tpu.memref_slice %arg3[%add3A_38, %dma_wait3A_53] : memref<2512x128xi32, #tpu.memory_space<hbm>> -> memref<1x128xi32, #tpu.memory_space<hbm>>
        %dma_wait3A_55 = tpu.memref_squeeze %dma_wait3A_54 : memref<1x128xi32, #tpu.memory_space<hbm>> -> memref<128xi32, #tpu.memory_space<hbm>>
        tpu.wait_dma2 semaphore(%run_scoped3A : memref<!tpu.dma_semaphore, #tpu.memory_space<semaphore_mem>>) src(%dma_wait3A_55 : memref<128xi32, #tpu.memory_space<hbm>>) dst(%arg9 : memref<128xi32, #tpu.memory_space<vmem>>)
        tpu.yield
      }) : () -> ()
      %add3A_39 = arith.addi %select_n3A_8, %while3A_37 : i32
      "tpu.region"() ({
        %run_scoped3A = tpu.sem_alloc : memref<!tpu.dma_semaphore, #tpu.memory_space<semaphore_mem>>
        %dma_start3A_44 = arith.constant 0 : i32
        %dma_start3A_45 = tpu.memref_slice %arg4[%add3A_39, %dma_start3A_44] : memref<2512x128xi32, #tpu.memory_space<hbm>> -> memref<1x128xi32, #tpu.memory_space<hbm>>
        %dma_start3A_46 = tpu.memref_squeeze %dma_start3A_45 : memref<1x128xi32, #tpu.memory_space<hbm>> -> memref<128xi32, #tpu.memory_space<hbm>>
        %dma_start3A_47 = arith.constant 0 : i32
        %dma_start3A_48 = tpu.memref_slice %arg4[%add3A_39, %dma_start3A_47] : memref<2512x128xi32, #tpu.memory_space<hbm>> -> memref<1x128xi32, #tpu.memory_space<hbm>>
        %dma_start3A_49 = tpu.memref_squeeze %dma_start3A_48 : memref<1x128xi32, #tpu.memory_space<hbm>> -> memref<128xi32, #tpu.memory_space<hbm>>
        tpu.enqueue_dma source(%dma_start3A_49 : memref<128xi32, #tpu.memory_space<hbm>>) target(%arg10 : memref<128xi32, #tpu.memory_space<vmem>>) target_semaphore(%run_scoped3A : memref<!tpu.dma_semaphore, #tpu.memory_space<semaphore_mem>>)
        %dma_wait3A_50 = arith.constant 0 : i32
        %dma_wait3A_51 = tpu.memref_slice %arg4[%add3A_39, %dma_wait3A_50] : memref<2512x128xi32, #tpu.memory_space<hbm>> -> memref<1x128xi32, #tpu.memory_space<hbm>>
        %dma_wait3A_52 = tpu.memref_squeeze %dma_wait3A_51 : memref<1x128xi32, #tpu.memory_space<hbm>> -> memref<128xi32, #tpu.memory_space<hbm>>
        %dma_wait3A_53 = arith.constant 0 : i32
        %dma_wait3A_54 = tpu.memref_slice %arg4[%add3A_39, %dma_wait3A_53] : memref<2512x128xi32, #tpu.memory_space<hbm>> -> memref<1x128xi32, #tpu.memory_space<hbm>>
        %dma_wait3A_55 = tpu.memref_squeeze %dma_wait3A_54 : memref<1x128xi32, #tpu.memory_space<hbm>> -> memref<128xi32, #tpu.memory_space<hbm>>
        tpu.wait_dma2 semaphore(%run_scoped3A : memref<!tpu.dma_semaphore, #tpu.memory_space<semaphore_mem>>) src(%dma_wait3A_55 : memref<128xi32, #tpu.memory_space<hbm>>) dst(%arg10 : memref<128xi32, #tpu.memory_space<vmem>>)
        tpu.yield
      }) : () -> ()
      %dma_start3A = arith.constant 0 : i32
      %dma_start3A_40 = arith.constant 0 : i32
      %dma_start3A_41 = tpu.memref_slice %arg2[%dma_start3A, %dma_start3A_40] : memref<10000x128xf32, #tpu.memory_space<hbm>> -> memref<10000x128xf32, #tpu.memory_space<hbm>>
      tpu.enqueue_indirect_dma source(%dma_start3A_41 : memref<10000x128xf32, #tpu.memory_space<hbm>>) target(%arg11 : memref<128x128xf32, #tpu.memory_space<vmem>>) offsets(%arg9 : memref<128xi32, #tpu.memory_space<vmem>>) semaphore(%arg15 : memref<!tpu.dma_semaphore, #tpu.memory_space<semaphore_mem>>)
      %dma_wait3A = arith.constant 0 : i32
      %dma_wait3A_42 = arith.constant 0 : i32
      %dma_wait3A_43 = tpu.memref_slice %arg2[%dma_wait3A, %dma_wait3A_42] : memref<10000x128xf32, #tpu.memory_space<hbm>> -> memref<10000x128xf32, #tpu.memory_space<hbm>>
      tpu.wait_indirect_dma semaphore(%arg15 : memref<!tpu.dma_semaphore, #tpu.memory_space<semaphore_mem>>) src(%dma_wait3A_43 : memref<10000x128xf32, #tpu.memory_space<hbm>>) dst(%arg11 : memref<128x128xf32, #tpu.memory_space<vmem>>)
      "tpu.region"() ({
        %run_scoped3A = tpu.sem_alloc : memref<!tpu.dma_semaphore, #tpu.memory_space<semaphore_mem>>
        %dma_start3A_44 = arith.constant 0 : i32
        %dma_start3A_45 = arith.constant 0 : i32
        %dma_start3A_46 = tpu.memref_slice %arg13[%dma_start3A_44, %dma_start3A_45] : memref<5120x128xf32, #tpu.memory_space<vmem_shared>> -> memref<5120x128xf32, #tpu.memory_space<vmem_shared>>
        tpu.enqueue_indirect_dma source(%arg11 : memref<128x128xf32, #tpu.memory_space<vmem>>) target(%dma_start3A_46 : memref<5120x128xf32, #tpu.memory_space<vmem_shared>>) offsets(%arg10 : memref<128xi32, #tpu.memory_space<vmem>>) semaphore(%run_scoped3A : memref<!tpu.dma_semaphore, #tpu.memory_space<semaphore_mem>>) {add = true}
        %dma_wait3A_47 = arith.constant 0 : i32
        %dma_wait3A_48 = arith.constant 0 : i32
        %dma_wait3A_49 = tpu.memref_slice %arg13[%dma_wait3A_47, %dma_wait3A_48] : memref<5120x128xf32, #tpu.memory_space<vmem_shared>> -> memref<5120x128xf32, #tpu.memory_space<vmem_shared>>
        tpu.wait_indirect_dma semaphore(%run_scoped3A : memref<!tpu.dma_semaphore, #tpu.memory_space<semaphore_mem>>) src(%arg11 : memref<128x128xf32, #tpu.memory_space<vmem>>) dst(%dma_wait3A_49 : memref<5120x128xf32, #tpu.memory_space<vmem_shared>>)
        tpu.yield
      }) : () -> ()
      "tpu.region"() ({
        %run_scoped3A = tpu.sem_alloc : memref<!tpu.dma_semaphore, #tpu.memory_space<semaphore_mem>>
        %dma_start3A_44 = arith.constant 0 : i32
        %dma_start3A_45 = arith.constant 0 : i32
        %dma_start3A_46 = tpu.memref_slice %arg14[%dma_start3A_44, %dma_start3A_45] : memref<5120x128xf32, #tpu.memory_space<vmem_shared>> -> memref<5120x128xf32, #tpu.memory_space<vmem_shared>>
        tpu.enqueue_indirect_dma source(%arg12 : memref<128x128xf32, #tpu.memory_space<vmem>>) target(%dma_start3A_46 : memref<5120x128xf32, #tpu.memory_space<vmem_shared>>) offsets(%arg10 : memref<128xi32, #tpu.memory_space<vmem>>) semaphore(%run_scoped3A : memref<!tpu.dma_semaphore, #tpu.memory_space<semaphore_mem>>) {add = true}
        %dma_wait3A_47 = arith.constant 0 : i32
        %dma_wait3A_48 = arith.constant 0 : i32
        %dma_wait3A_49 = tpu.memref_slice %arg14[%dma_wait3A_47, %dma_wait3A_48] : memref<5120x128xf32, #tpu.memory_space<vmem_shared>> -> memref<5120x128xf32, #tpu.memory_space<vmem_shared>>
        tpu.wait_indirect_dma semaphore(%run_scoped3A : memref<!tpu.dma_semaphore, #tpu.memory_space<semaphore_mem>>) src(%arg12 : memref<128x128xf32, #tpu.memory_space<vmem>>) dst(%dma_wait3A_49 : memref<5120x128xf32, #tpu.memory_space<vmem_shared>>)
        tpu.yield
      }) : () -> ()
    }
    %while3A_21 = arith.constant 1 : i32
    scf.for %while3A_37 = %while3A_19 to %while3A_15 step %while3A_21  : i32 {
      %add3A_38 = arith.addi %select_n3A_8, %while3A_37 : i32
      "tpu.region"() ({
        %run_scoped3A = tpu.sem_alloc : memref<!tpu.dma_semaphore, #tpu.memory_space<semaphore_mem>>
        %dma_start3A_44 = arith.constant 0 : i32
        %dma_start3A_45 = tpu.memref_slice %arg3[%add3A_38, %dma_start3A_44] : memref<2512x128xi32, #tpu.memory_space<hbm>> -> memref<1x128xi32, #tpu.memory_space<hbm>>
        %dma_start3A_46 = tpu.memref_squeeze %dma_start3A_45 : memref<1x128xi32, #tpu.memory_space<hbm>> -> memref<128xi32, #tpu.memory_space<hbm>>
        %dma_start3A_47 = arith.constant 0 : i32
        %dma_start3A_48 = tpu.memref_slice %arg3[%add3A_38, %dma_start3A_47] : memref<2512x128xi32, #tpu.memory_space<hbm>> -> memref<1x128xi32, #tpu.memory_space<hbm>>
        %dma_start3A_49 = tpu.memref_squeeze %dma_start3A_48 : memref<1x128xi32, #tpu.memory_space<hbm>> -> memref<128xi32, #tpu.memory_space<hbm>>
        tpu.enqueue_dma source(%dma_start3A_49 : memref<128xi32, #tpu.memory_space<hbm>>) target(%arg9 : memref<128xi32, #tpu.memory_space<vmem>>) target_semaphore(%run_scoped3A : memref<!tpu.dma_semaphore, #tpu.memory_space<semaphore_mem>>)
        %dma_wait3A_50 = arith.constant 0 : i32
        %dma_wait3A_51 = tpu.memref_slice %arg3[%add3A_38, %dma_wait3A_50] : memref<2512x128xi32, #tpu.memory_space<hbm>> -> memref<1x128xi32, #tpu.memory_space<hbm>>
        %dma_wait3A_52 = tpu.memref_squeeze %dma_wait3A_51 : memref<1x128xi32, #tpu.memory_space<hbm>> -> memref<128xi32, #tpu.memory_space<hbm>>
        %dma_wait3A_53 = arith.constant 0 : i32
        %dma_wait3A_54 = tpu.memref_slice %arg3[%add3A_38, %dma_wait3A_53] : memref<2512x128xi32, #tpu.memory_space<hbm>> -> memref<1x128xi32, #tpu.memory_space<hbm>>
        %dma_wait3A_55 = tpu.memref_squeeze %dma_wait3A_54 : memref<1x128xi32, #tpu.memory_space<hbm>> -> memref<128xi32, #tpu.memory_space<hbm>>
        tpu.wait_dma2 semaphore(%run_scoped3A : memref<!tpu.dma_semaphore, #tpu.memory_space<semaphore_mem>>) src(%dma_wait3A_55 : memref<128xi32, #tpu.memory_space<hbm>>) dst(%arg9 : memref<128xi32, #tpu.memory_space<vmem>>)
        tpu.yield
      }) : () -> ()
      %add3A_39 = arith.addi %select_n3A_8, %while3A_37 : i32
      "tpu.region"() ({
        %run_scoped3A = tpu.sem_alloc : memref<!tpu.dma_semaphore, #tpu.memory_space<semaphore_mem>>
        %dma_start3A_44 = arith.constant 0 : i32
        %dma_start3A_45 = tpu.memref_slice %arg4[%add3A_39, %dma_start3A_44] : memref<2512x128xi32, #tpu.memory_space<hbm>> -> memref<1x128xi32, #tpu.memory_space<hbm>>
        %dma_start3A_46 = tpu.memref_squeeze %dma_start3A_45 : memref<1x128xi32, #tpu.memory_space<hbm>> -> memref<128xi32, #tpu.memory_space<hbm>>
        %dma_start3A_47 = arith.constant 0 : i32
        %dma_start3A_48 = tpu.memref_slice %arg4[%add3A_39, %dma_start3A_47] : memref<2512x128xi32, #tpu.memory_space<hbm>> -> memref<1x128xi32, #tpu.memory_space<hbm>>
        %dma_start3A_49 = tpu.memref_squeeze %dma_start3A_48 : memref<1x128xi32, #tpu.memory_space<hbm>> -> memref<128xi32, #tpu.memory_space<hbm>>
        tpu.enqueue_dma source(%dma_start3A_49 : memref<128xi32, #tpu.memory_space<hbm>>) target(%arg10 : memref<128xi32, #tpu.memory_space<vmem>>) target_semaphore(%run_scoped3A : memref<!tpu.dma_semaphore, #tpu.memory_space<semaphore_mem>>)
        %dma_wait3A_50 = arith.constant 0 : i32
        %dma_wait3A_51 = tpu.memref_slice %arg4[%add3A_39, %dma_wait3A_50] : memref<2512x128xi32, #tpu.memory_space<hbm>> -> memref<1x128xi32, #tpu.memory_space<hbm>>
        %dma_wait3A_52 = tpu.memref_squeeze %dma_wait3A_51 : memref<1x128xi32, #tpu.memory_space<hbm>> -> memref<128xi32, #tpu.memory_space<hbm>>
        %dma_wait3A_53 = arith.constant 0 : i32
        %dma_wait3A_54 = tpu.memref_slice %arg4[%add3A_39, %dma_wait3A_53] : memref<2512x128xi32, #tpu.memory_space<hbm>> -> memref<1x128xi32, #tpu.memory_space<hbm>>
        %dma_wait3A_55 = tpu.memref_squeeze %dma_wait3A_54 : memref<1x128xi32, #tpu.memory_space<hbm>> -> memref<128xi32, #tpu.memory_space<hbm>>
        tpu.wait_dma2 semaphore(%run_scoped3A : memref<!tpu.dma_semaphore, #tpu.memory_space<semaphore_mem>>) src(%dma_wait3A_55 : memref<128xi32, #tpu.memory_space<hbm>>) dst(%arg10 : memref<128xi32, #tpu.memory_space<vmem>>)
        tpu.yield
      }) : () -> ()
      %dma_start3A = arith.constant 0 : i32
      %dma_start3A_40 = arith.constant 0 : i32
      %dma_start3A_41 = tpu.memref_slice %arg2[%dma_start3A, %dma_start3A_40] : memref<10000x128xf32, #tpu.memory_space<hbm>> -> memref<10000x128xf32, #tpu.memory_space<hbm>>
      tpu.enqueue_indirect_dma source(%dma_start3A_41 : memref<10000x128xf32, #tpu.memory_space<hbm>>) target(%arg11 : memref<128x128xf32, #tpu.memory_space<vmem>>) offsets(%arg9 : memref<128xi32, #tpu.memory_space<vmem>>) semaphore(%arg15 : memref<!tpu.dma_semaphore, #tpu.memory_space<semaphore_mem>>)
      %dma_wait3A = arith.constant 0 : i32
      %dma_wait3A_42 = arith.constant 0 : i32
      %dma_wait3A_43 = tpu.memref_slice %arg2[%dma_wait3A, %dma_wait3A_42] : memref<10000x128xf32, #tpu.memory_space<hbm>> -> memref<10000x128xf32, #tpu.memory_space<hbm>>
      tpu.wait_indirect_dma semaphore(%arg15 : memref<!tpu.dma_semaphore, #tpu.memory_space<semaphore_mem>>) src(%dma_wait3A_43 : memref<10000x128xf32, #tpu.memory_space<hbm>>) dst(%arg11 : memref<128x128xf32, #tpu.memory_space<vmem>>)
      "tpu.region"() ({
        %run_scoped3A = tpu.sem_alloc : memref<!tpu.dma_semaphore, #tpu.memory_space<semaphore_mem>>
        %dma_start3A_44 = arith.constant 0 : i32
        %dma_start3A_45 = arith.constant 0 : i32
        %dma_start3A_46 = tpu.memref_slice %arg13[%dma_start3A_44, %dma_start3A_45] : memref<5120x128xf32, #tpu.memory_space<vmem_shared>> -> memref<5120x128xf32, #tpu.memory_space<vmem_shared>>
        tpu.enqueue_indirect_dma source(%arg11 : memref<128x128xf32, #tpu.memory_space<vmem>>) target(%dma_start3A_46 : memref<5120x128xf32, #tpu.memory_space<vmem_shared>>) offsets(%arg10 : memref<128xi32, #tpu.memory_space<vmem>>) semaphore(%run_scoped3A : memref<!tpu.dma_semaphore, #tpu.memory_space<semaphore_mem>>) {add = true}
        %dma_wait3A_47 = arith.constant 0 : i32
        %dma_wait3A_48 = arith.constant 0 : i32
        %dma_wait3A_49 = tpu.memref_slice %arg13[%dma_wait3A_47, %dma_wait3A_48] : memref<5120x128xf32, #tpu.memory_space<vmem_shared>> -> memref<5120x128xf32, #tpu.memory_space<vmem_shared>>
        tpu.wait_indirect_dma semaphore(%run_scoped3A : memref<!tpu.dma_semaphore, #tpu.memory_space<semaphore_mem>>) src(%arg11 : memref<128x128xf32, #tpu.memory_space<vmem>>) dst(%dma_wait3A_49 : memref<5120x128xf32, #tpu.memory_space<vmem_shared>>)
        tpu.yield
      }) : () -> ()
      "tpu.region"() ({
        %run_scoped3A = tpu.sem_alloc : memref<!tpu.dma_semaphore, #tpu.memory_space<semaphore_mem>>
        %dma_start3A_44 = arith.constant 0 : i32
        %dma_start3A_45 = arith.constant 0 : i32
        %dma_start3A_46 = tpu.memref_slice %arg14[%dma_start3A_44, %dma_start3A_45] : memref<5120x128xf32, #tpu.memory_space<vmem_shared>> -> memref<5120x128xf32, #tpu.memory_space<vmem_shared>>
        tpu.enqueue_indirect_dma source(%arg12 : memref<128x128xf32, #tpu.memory_space<vmem>>) target(%dma_start3A_46 : memref<5120x128xf32, #tpu.memory_space<vmem_shared>>) offsets(%arg10 : memref<128xi32, #tpu.memory_space<vmem>>) semaphore(%run_scoped3A : memref<!tpu.dma_semaphore, #tpu.memory_space<semaphore_mem>>) {add = true}
        %dma_wait3A_47 = arith.constant 0 : i32
        %dma_wait3A_48 = arith.constant 0 : i32
        %dma_wait3A_49 = tpu.memref_slice %arg14[%dma_wait3A_47, %dma_wait3A_48] : memref<5120x128xf32, #tpu.memory_space<vmem_shared>> -> memref<5120x128xf32, #tpu.memory_space<vmem_shared>>
        tpu.wait_indirect_dma semaphore(%run_scoped3A : memref<!tpu.dma_semaphore, #tpu.memory_space<semaphore_mem>>) src(%arg12 : memref<128x128xf32, #tpu.memory_space<vmem>>) dst(%dma_wait3A_49 : memref<5120x128xf32, #tpu.memory_space<vmem_shared>>)
        tpu.yield
      }) : () -> ()
    }
    %barrier3A_22 = arith.constant 0 : index
    tpu.barrier barrier_id(%barrier3A_22)
    %mul3A_23 = arith.constant 320 : i32
    %mul3A_24 = arith.muli %arg1, %mul3A_23 : i32
    %mul3A_25 = arith.constant 5120 : i32
    %mul3A_26 = arith.muli %arg0, %mul3A_25 : i32
    %mul3A_27 = arith.constant 320 : i32
    %mul3A_28 = arith.muli %arg1, %mul3A_27 : i32
    %add3A_29 = arith.addi %mul3A_26, %mul3A_28 : i32
    "tpu.region"() ({
      %run_scoped3A = tpu.sem_alloc : memref<!tpu.dma_semaphore, #tpu.memory_space<semaphore_mem>>
      %dma_start3A = arith.constant 0 : i32
      %dma_start3A_37 = tpu.memref_slice %arg7[%add3A_29, %dma_start3A] : memref<10240x128xf32, #tpu.memory_space<hbm>> -> memref<320x128xf32, #tpu.memory_space<hbm>>
      %dma_start3A_38 = arith.constant 0 : i32
      %dma_start3A_39 = tpu.memref_slice %arg13[%mul3A_24, %dma_start3A_38] : memref<5120x128xf32, #tpu.memory_space<vmem_shared>> -> memref<320x128xf32, #tpu.memory_space<vmem_shared>>
      tpu.enqueue_dma source(%dma_start3A_39 : memref<320x128xf32, #tpu.memory_space<vmem_shared>>) target(%dma_start3A_37 : memref<320x128xf32, #tpu.memory_space<hbm>>) target_semaphore(%run_scoped3A : memref<!tpu.dma_semaphore, #tpu.memory_space<semaphore_mem>>)
      %dma_wait3A = arith.constant 0 : i32
      %dma_wait3A_40 = tpu.memref_slice %arg7[%add3A_29, %dma_wait3A] : memref<10240x128xf32, #tpu.memory_space<hbm>> -> memref<320x128xf32, #tpu.memory_space<hbm>>
      %dma_wait3A_41 = arith.constant 0 : i32
      %dma_wait3A_42 = tpu.memref_slice %arg13[%mul3A_24, %dma_wait3A_41] : memref<5120x128xf32, #tpu.memory_space<vmem_shared>> -> memref<320x128xf32, #tpu.memory_space<vmem_shared>>
      tpu.wait_dma2 semaphore(%run_scoped3A : memref<!tpu.dma_semaphore, #tpu.memory_space<semaphore_mem>>) src(%dma_wait3A_42 : memref<320x128xf32, #tpu.memory_space<vmem_shared>>) dst(%dma_wait3A_40 : memref<320x128xf32, #tpu.memory_space<hbm>>)
      tpu.yield
    }) : () -> ()
    %mul3A_30 = arith.constant 320 : i32
    %mul3A_31 = arith.muli %arg1, %mul3A_30 : i32
    %mul3A_32 = arith.constant 5120 : i32
    %mul3A_33 = arith.muli %arg0, %mul3A_32 : i32
    %mul3A_34 = arith.constant 320 : i32
    %mul3A_35 = arith.muli %arg1, %mul3A_34 : i32
    %add3A_36 = arith.addi %mul3A_33, %mul3A_35 : i32
    "tpu.region"() ({
      %run_scoped3A = tpu.sem_alloc : memref<!tpu.dma_semaphore, #tpu.memory_space<semaphore_mem>>
      %dma_start3A = arith.constant 0 : i32
      %dma_start3A_37 = tpu.memref_slice %arg8[%add3A_36, %dma_start3A] : memref<10240x128xf32, #tpu.memory_space<hbm>> -> memref<320x128xf32, #tpu.memory_space<hbm>>
      %dma_start3A_38 = arith.constant 0 : i32
      %dma_start3A_39 = tpu.memref_slice %arg14[%mul3A_31, %dma_start3A_38] : memref<5120x128xf32, #tpu.memory_space<vmem_shared>> -> memref<320x128xf32, #tpu.memory_space<vmem_shared>>
      tpu.enqueue_dma source(%dma_start3A_39 : memref<320x128xf32, #tpu.memory_space<vmem_shared>>) target(%dma_start3A_37 : memref<320x128xf32, #tpu.memory_space<hbm>>) target_semaphore(%run_scoped3A : memref<!tpu.dma_semaphore, #tpu.memory_space<semaphore_mem>>)
      %dma_wait3A = arith.constant 0 : i32
      %dma_wait3A_40 = tpu.memref_slice %arg8[%add3A_36, %dma_wait3A] : memref<10240x128xf32, #tpu.memory_space<hbm>> -> memref<320x128xf32, #tpu.memory_space<hbm>>
      %dma_wait3A_41 = arith.constant 0 : i32
      %dma_wait3A_42 = tpu.memref_slice %arg14[%mul3A_31, %dma_wait3A_41] : memref<5120x128xf32, #tpu.memory_space<vmem_shared>> -> memref<320x128xf32, #tpu.memory_space<vmem_shared>>
      tpu.wait_dma2 semaphore(%run_scoped3A : memref<!tpu.dma_semaphore, #tpu.memory_space<semaphore_mem>>) src(%dma_wait3A_42 : memref<320x128xf32, #tpu.memory_space<vmem_shared>>) dst(%dma_wait3A_40 : memref<320x128xf32, #tpu.memory_space<hbm>>)
      tpu.yield
    }) : () -> ()
    return
  }
}

#map = affine_map<(d0, d1) -> (0, 0)>
module attributes {stable_mosaic.version = 14 : i64} {
  func.func @kfn(%arg0: i32, %arg1: i32, %arg2: memref<5000x128xf32, #tpu.memory_space<hbm>>, %arg3: memref<512x128xi32, #tpu.memory_space<hbm>>, %arg4: memref<512x128xi32, #tpu.memory_space<hbm>>, %arg5: memref<64x128xf32, #tpu.memory_space<hbm>>, %arg6: memref<128x128xf32, #tpu.memory_space<hbm>>, %arg7: memref<2048x128xf32, #tpu.memory_space<hbm>>, %arg8: memref<2048x128xf32, #tpu.memory_space<hbm>>, %arg9: memref<128xi32, #tpu.memory_space<vmem>>, %arg10: memref<128xi32, #tpu.memory_space<vmem>>, %arg11: memref<128x128xf32, #tpu.memory_space<vmem>>, %arg12: memref<128x128xf32, #tpu.memory_space<vmem>>, %arg13: memref<1024x128xf32, #tpu.memory_space<vmem_shared>>, %arg14: memref<1024x128xf32, #tpu.memory_space<vmem_shared>>, %arg15: memref<!tpu.dma_semaphore, #tpu.memory_space<semaphore_mem>>) attributes {dimension_semantics = [#tpu.dimension_semantics<core_parallel>, #tpu.dimension_semantics<subcore_parallel>], iteration_bounds = array<i64: 2, 16>, scalar_prefetch = 0 : i64, scratch_operands = 7 : i64, tpu.core_type = #tpu.core_type<sc_vector_subcore>, window_params = [{transform_indices = #map}, {transform_indices = #map}, {transform_indices = #map}, {transform_indices = #map}, {transform_indices = #map}, {transform_indices = #map}, {transform_indices = #map}]} {
    %eq3A = arith.constant 0 : i32
    %eq3A_0 = arith.cmpi eq, %arg0, %eq3A : i32
    %jit3A = arith.constant 16 : i32
    %jit3A_1 = arith.constant 16 : i32
    %select_n3A = arith.select %eq3A_0, %jit3A, %jit3A_1 : i32
    %eq3A_2 = arith.constant 0 : i32
    %eq3A_3 = arith.cmpi eq, %arg0, %eq3A_2 : i32
    %mul3A = arith.constant 16 : i32
    %mul3A_4 = arith.muli %arg1, %mul3A : i32
    %mul3A_5 = arith.constant 16 : i32
    %mul3A_6 = arith.muli %arg1, %mul3A_5 : i32
    %add3A = arith.constant 256 : i32
    %add3A_7 = arith.addi %add3A, %mul3A_6 : i32
    %select_n3A_8 = arith.select %eq3A_3, %mul3A_4, %add3A_7 : i32
    "tpu.region"() ({
      %run_scoped3A = tpu.sem_alloc : memref<!tpu.dma_semaphore, #tpu.memory_space<semaphore_mem>>
      tpu.enqueue_dma source(%arg6 : memref<128x128xf32, #tpu.memory_space<hbm>>) target(%arg12 : memref<128x128xf32, #tpu.memory_space<vmem>>) target_semaphore(%run_scoped3A : memref<!tpu.dma_semaphore, #tpu.memory_space<semaphore_mem>>)
      tpu.wait_dma2 semaphore(%run_scoped3A : memref<!tpu.dma_semaphore, #tpu.memory_space<semaphore_mem>>) src(%arg6 : memref<128x128xf32, #tpu.memory_space<hbm>>) dst(%arg12 : memref<128x128xf32, #tpu.memory_space<vmem>>)
      tpu.yield
    }) : () -> ()
    %mul3A_9 = arith.constant 64 : i32
    %mul3A_10 = arith.muli %arg1, %mul3A_9 : i32
    "tpu.region"() ({
      %run_scoped3A = tpu.sem_alloc : memref<!tpu.dma_semaphore, #tpu.memory_space<semaphore_mem>>
      %dma_start3A = arith.constant 0 : i32
      %dma_start3A_37 = tpu.memref_slice %arg13[%mul3A_10, %dma_start3A] : memref<1024x128xf32, #tpu.memory_space<vmem_shared>> -> memref<64x128xf32, #tpu.memory_space<vmem_shared>>
      tpu.enqueue_dma source(%arg5 : memref<64x128xf32, #tpu.memory_space<hbm>>) target(%dma_start3A_37 : memref<64x128xf32, #tpu.memory_space<vmem_shared>>) target_semaphore(%run_scoped3A : memref<!tpu.dma_semaphore, #tpu.memory_space<semaphore_mem>>)
      %dma_wait3A = arith.constant 0 : i32
      %dma_wait3A_38 = tpu.memref_slice %arg13[%mul3A_10, %dma_wait3A] : memref<1024x128xf32, #tpu.memory_space<vmem_shared>> -> memref<64x128xf32, #tpu.memory_space<vmem_shared>>
      tpu.wait_dma2 semaphore(%run_scoped3A : memref<!tpu.dma_semaphore, #tpu.memory_space<semaphore_mem>>) src(%arg5 : memref<64x128xf32, #tpu.memory_space<hbm>>) dst(%dma_wait3A_38 : memref<64x128xf32, #tpu.memory_space<vmem_shared>>)
      tpu.yield
    }) : () -> ()
    %mul3A_11 = arith.constant 64 : i32
    %mul3A_12 = arith.muli %arg1, %mul3A_11 : i32
    "tpu.region"() ({
      %run_scoped3A = tpu.sem_alloc : memref<!tpu.dma_semaphore, #tpu.memory_space<semaphore_mem>>
      %dma_start3A = arith.constant 0 : i32
      %dma_start3A_37 = tpu.memref_slice %arg14[%mul3A_12, %dma_start3A] : memref<1024x128xf32, #tpu.memory_space<vmem_shared>> -> memref<64x128xf32, #tpu.memory_space<vmem_shared>>
      tpu.enqueue_dma source(%arg5 : memref<64x128xf32, #tpu.memory_space<hbm>>) target(%dma_start3A_37 : memref<64x128xf32, #tpu.memory_space<vmem_shared>>) target_semaphore(%run_scoped3A : memref<!tpu.dma_semaphore, #tpu.memory_space<semaphore_mem>>)
      %dma_wait3A = arith.constant 0 : i32
      %dma_wait3A_38 = tpu.memref_slice %arg14[%mul3A_12, %dma_wait3A] : memref<1024x128xf32, #tpu.memory_space<vmem_shared>> -> memref<64x128xf32, #tpu.memory_space<vmem_shared>>
      tpu.wait_dma2 semaphore(%run_scoped3A : memref<!tpu.dma_semaphore, #tpu.memory_space<semaphore_mem>>) src(%arg5 : memref<64x128xf32, #tpu.memory_space<hbm>>) dst(%dma_wait3A_38 : memref<64x128xf32, #tpu.memory_space<vmem_shared>>)
      tpu.yield
    }) : () -> ()
    %barrier3A = arith.constant 0 : index
    tpu.barrier barrier_id(%barrier3A)
    %while3A = arith.constant 0 : i32
    %while3A_13 = arith.constant 0 : i32
    %while3A_14 = arith.subi %select_n3A, %while3A_13 : i32
    %while3A_15 = arith.addi %while3A_13, %while3A_14 : i32
    %while3A_16 = arith.constant 1 : i32
    %while3A_17 = arith.divsi %while3A_14, %while3A_16 : i32
    %while3A_18 = arith.muli %while3A_17, %while3A_16 : i32
    %while3A_19 = arith.addi %while3A_13, %while3A_18 : i32
    %while3A_20 = arith.constant 1 : i32
    scf.for %while3A_37 = %while3A_13 to %while3A_19 step %while3A_20  : i32 {
      %add3A_38 = arith.addi %select_n3A_8, %while3A_37 : i32
      "tpu.region"() ({
        %run_scoped3A = tpu.sem_alloc : memref<!tpu.dma_semaphore, #tpu.memory_space<semaphore_mem>>
        %dma_start3A_44 = arith.constant 0 : i32
        %dma_start3A_45 = tpu.memref_slice %arg3[%add3A_38, %dma_start3A_44] : memref<512x128xi32, #tpu.memory_space<hbm>> -> memref<1x128xi32, #tpu.memory_space<hbm>>
        %dma_start3A_46 = tpu.memref_squeeze %dma_start3A_45 : memref<1x128xi32, #tpu.memory_space<hbm>> -> memref<128xi32, #tpu.memory_space<hbm>>
        %dma_start3A_47 = arith.constant 0 : i32
        %dma_start3A_48 = tpu.memref_slice %arg3[%add3A_38, %dma_start3A_47] : memref<512x128xi32, #tpu.memory_space<hbm>> -> memref<1x128xi32, #tpu.memory_space<hbm>>
        %dma_start3A_49 = tpu.memref_squeeze %dma_start3A_48 : memref<1x128xi32, #tpu.memory_space<hbm>> -> memref<128xi32, #tpu.memory_space<hbm>>
        tpu.enqueue_dma source(%dma_start3A_49 : memref<128xi32, #tpu.memory_space<hbm>>) target(%arg9 : memref<128xi32, #tpu.memory_space<vmem>>) target_semaphore(%run_scoped3A : memref<!tpu.dma_semaphore, #tpu.memory_space<semaphore_mem>>)
        %dma_wait3A_50 = arith.constant 0 : i32
        %dma_wait3A_51 = tpu.memref_slice %arg3[%add3A_38, %dma_wait3A_50] : memref<512x128xi32, #tpu.memory_space<hbm>> -> memref<1x128xi32, #tpu.memory_space<hbm>>
        %dma_wait3A_52 = tpu.memref_squeeze %dma_wait3A_51 : memref<1x128xi32, #tpu.memory_space<hbm>> -> memref<128xi32, #tpu.memory_space<hbm>>
        %dma_wait3A_53 = arith.constant 0 : i32
        %dma_wait3A_54 = tpu.memref_slice %arg3[%add3A_38, %dma_wait3A_53] : memref<512x128xi32, #tpu.memory_space<hbm>> -> memref<1x128xi32, #tpu.memory_space<hbm>>
        %dma_wait3A_55 = tpu.memref_squeeze %dma_wait3A_54 : memref<1x128xi32, #tpu.memory_space<hbm>> -> memref<128xi32, #tpu.memory_space<hbm>>
        tpu.wait_dma2 semaphore(%run_scoped3A : memref<!tpu.dma_semaphore, #tpu.memory_space<semaphore_mem>>) src(%dma_wait3A_55 : memref<128xi32, #tpu.memory_space<hbm>>) dst(%arg9 : memref<128xi32, #tpu.memory_space<vmem>>)
        tpu.yield
      }) : () -> ()
      %add3A_39 = arith.addi %select_n3A_8, %while3A_37 : i32
      "tpu.region"() ({
        %run_scoped3A = tpu.sem_alloc : memref<!tpu.dma_semaphore, #tpu.memory_space<semaphore_mem>>
        %dma_start3A_44 = arith.constant 0 : i32
        %dma_start3A_45 = tpu.memref_slice %arg4[%add3A_39, %dma_start3A_44] : memref<512x128xi32, #tpu.memory_space<hbm>> -> memref<1x128xi32, #tpu.memory_space<hbm>>
        %dma_start3A_46 = tpu.memref_squeeze %dma_start3A_45 : memref<1x128xi32, #tpu.memory_space<hbm>> -> memref<128xi32, #tpu.memory_space<hbm>>
        %dma_start3A_47 = arith.constant 0 : i32
        %dma_start3A_48 = tpu.memref_slice %arg4[%add3A_39, %dma_start3A_47] : memref<512x128xi32, #tpu.memory_space<hbm>> -> memref<1x128xi32, #tpu.memory_space<hbm>>
        %dma_start3A_49 = tpu.memref_squeeze %dma_start3A_48 : memref<1x128xi32, #tpu.memory_space<hbm>> -> memref<128xi32, #tpu.memory_space<hbm>>
        tpu.enqueue_dma source(%dma_start3A_49 : memref<128xi32, #tpu.memory_space<hbm>>) target(%arg10 : memref<128xi32, #tpu.memory_space<vmem>>) target_semaphore(%run_scoped3A : memref<!tpu.dma_semaphore, #tpu.memory_space<semaphore_mem>>)
        %dma_wait3A_50 = arith.constant 0 : i32
        %dma_wait3A_51 = tpu.memref_slice %arg4[%add3A_39, %dma_wait3A_50] : memref<512x128xi32, #tpu.memory_space<hbm>> -> memref<1x128xi32, #tpu.memory_space<hbm>>
        %dma_wait3A_52 = tpu.memref_squeeze %dma_wait3A_51 : memref<1x128xi32, #tpu.memory_space<hbm>> -> memref<128xi32, #tpu.memory_space<hbm>>
        %dma_wait3A_53 = arith.constant 0 : i32
        %dma_wait3A_54 = tpu.memref_slice %arg4[%add3A_39, %dma_wait3A_53] : memref<512x128xi32, #tpu.memory_space<hbm>> -> memref<1x128xi32, #tpu.memory_space<hbm>>
        %dma_wait3A_55 = tpu.memref_squeeze %dma_wait3A_54 : memref<1x128xi32, #tpu.memory_space<hbm>> -> memref<128xi32, #tpu.memory_space<hbm>>
        tpu.wait_dma2 semaphore(%run_scoped3A : memref<!tpu.dma_semaphore, #tpu.memory_space<semaphore_mem>>) src(%dma_wait3A_55 : memref<128xi32, #tpu.memory_space<hbm>>) dst(%arg10 : memref<128xi32, #tpu.memory_space<vmem>>)
        tpu.yield
      }) : () -> ()
      %dma_start3A = arith.constant 0 : i32
      %dma_start3A_40 = arith.constant 0 : i32
      %dma_start3A_41 = tpu.memref_slice %arg2[%dma_start3A, %dma_start3A_40] : memref<5000x128xf32, #tpu.memory_space<hbm>> -> memref<5000x128xf32, #tpu.memory_space<hbm>>
      tpu.enqueue_indirect_dma source(%dma_start3A_41 : memref<5000x128xf32, #tpu.memory_space<hbm>>) target(%arg11 : memref<128x128xf32, #tpu.memory_space<vmem>>) offsets(%arg9 : memref<128xi32, #tpu.memory_space<vmem>>) semaphore(%arg15 : memref<!tpu.dma_semaphore, #tpu.memory_space<semaphore_mem>>)
      %dma_wait3A = arith.constant 0 : i32
      %dma_wait3A_42 = arith.constant 0 : i32
      %dma_wait3A_43 = tpu.memref_slice %arg2[%dma_wait3A, %dma_wait3A_42] : memref<5000x128xf32, #tpu.memory_space<hbm>> -> memref<5000x128xf32, #tpu.memory_space<hbm>>
      tpu.wait_indirect_dma semaphore(%arg15 : memref<!tpu.dma_semaphore, #tpu.memory_space<semaphore_mem>>) src(%dma_wait3A_43 : memref<5000x128xf32, #tpu.memory_space<hbm>>) dst(%arg11 : memref<128x128xf32, #tpu.memory_space<vmem>>)
      "tpu.region"() ({
        %run_scoped3A = tpu.sem_alloc : memref<!tpu.dma_semaphore, #tpu.memory_space<semaphore_mem>>
        %dma_start3A_44 = arith.constant 0 : i32
        %dma_start3A_45 = arith.constant 0 : i32
        %dma_start3A_46 = tpu.memref_slice %arg13[%dma_start3A_44, %dma_start3A_45] : memref<1024x128xf32, #tpu.memory_space<vmem_shared>> -> memref<1024x128xf32, #tpu.memory_space<vmem_shared>>
        tpu.enqueue_indirect_dma source(%arg11 : memref<128x128xf32, #tpu.memory_space<vmem>>) target(%dma_start3A_46 : memref<1024x128xf32, #tpu.memory_space<vmem_shared>>) offsets(%arg10 : memref<128xi32, #tpu.memory_space<vmem>>) semaphore(%run_scoped3A : memref<!tpu.dma_semaphore, #tpu.memory_space<semaphore_mem>>) {add = true}
        %dma_wait3A_47 = arith.constant 0 : i32
        %dma_wait3A_48 = arith.constant 0 : i32
        %dma_wait3A_49 = tpu.memref_slice %arg13[%dma_wait3A_47, %dma_wait3A_48] : memref<1024x128xf32, #tpu.memory_space<vmem_shared>> -> memref<1024x128xf32, #tpu.memory_space<vmem_shared>>
        tpu.wait_indirect_dma semaphore(%run_scoped3A : memref<!tpu.dma_semaphore, #tpu.memory_space<semaphore_mem>>) src(%arg11 : memref<128x128xf32, #tpu.memory_space<vmem>>) dst(%dma_wait3A_49 : memref<1024x128xf32, #tpu.memory_space<vmem_shared>>)
        tpu.yield
      }) : () -> ()
      "tpu.region"() ({
        %run_scoped3A = tpu.sem_alloc : memref<!tpu.dma_semaphore, #tpu.memory_space<semaphore_mem>>
        %dma_start3A_44 = arith.constant 0 : i32
        %dma_start3A_45 = arith.constant 0 : i32
        %dma_start3A_46 = tpu.memref_slice %arg14[%dma_start3A_44, %dma_start3A_45] : memref<1024x128xf32, #tpu.memory_space<vmem_shared>> -> memref<1024x128xf32, #tpu.memory_space<vmem_shared>>
        tpu.enqueue_indirect_dma source(%arg12 : memref<128x128xf32, #tpu.memory_space<vmem>>) target(%dma_start3A_46 : memref<1024x128xf32, #tpu.memory_space<vmem_shared>>) offsets(%arg10 : memref<128xi32, #tpu.memory_space<vmem>>) semaphore(%run_scoped3A : memref<!tpu.dma_semaphore, #tpu.memory_space<semaphore_mem>>) {add = true}
        %dma_wait3A_47 = arith.constant 0 : i32
        %dma_wait3A_48 = arith.constant 0 : i32
        %dma_wait3A_49 = tpu.memref_slice %arg14[%dma_wait3A_47, %dma_wait3A_48] : memref<1024x128xf32, #tpu.memory_space<vmem_shared>> -> memref<1024x128xf32, #tpu.memory_space<vmem_shared>>
        tpu.wait_indirect_dma semaphore(%run_scoped3A : memref<!tpu.dma_semaphore, #tpu.memory_space<semaphore_mem>>) src(%arg12 : memref<128x128xf32, #tpu.memory_space<vmem>>) dst(%dma_wait3A_49 : memref<1024x128xf32, #tpu.memory_space<vmem_shared>>)
        tpu.yield
      }) : () -> ()
    }
    %while3A_21 = arith.constant 1 : i32
    scf.for %while3A_37 = %while3A_19 to %while3A_15 step %while3A_21  : i32 {
      %add3A_38 = arith.addi %select_n3A_8, %while3A_37 : i32
      "tpu.region"() ({
        %run_scoped3A = tpu.sem_alloc : memref<!tpu.dma_semaphore, #tpu.memory_space<semaphore_mem>>
        %dma_start3A_44 = arith.constant 0 : i32
        %dma_start3A_45 = tpu.memref_slice %arg3[%add3A_38, %dma_start3A_44] : memref<512x128xi32, #tpu.memory_space<hbm>> -> memref<1x128xi32, #tpu.memory_space<hbm>>
        %dma_start3A_46 = tpu.memref_squeeze %dma_start3A_45 : memref<1x128xi32, #tpu.memory_space<hbm>> -> memref<128xi32, #tpu.memory_space<hbm>>
        %dma_start3A_47 = arith.constant 0 : i32
        %dma_start3A_48 = tpu.memref_slice %arg3[%add3A_38, %dma_start3A_47] : memref<512x128xi32, #tpu.memory_space<hbm>> -> memref<1x128xi32, #tpu.memory_space<hbm>>
        %dma_start3A_49 = tpu.memref_squeeze %dma_start3A_48 : memref<1x128xi32, #tpu.memory_space<hbm>> -> memref<128xi32, #tpu.memory_space<hbm>>
        tpu.enqueue_dma source(%dma_start3A_49 : memref<128xi32, #tpu.memory_space<hbm>>) target(%arg9 : memref<128xi32, #tpu.memory_space<vmem>>) target_semaphore(%run_scoped3A : memref<!tpu.dma_semaphore, #tpu.memory_space<semaphore_mem>>)
        %dma_wait3A_50 = arith.constant 0 : i32
        %dma_wait3A_51 = tpu.memref_slice %arg3[%add3A_38, %dma_wait3A_50] : memref<512x128xi32, #tpu.memory_space<hbm>> -> memref<1x128xi32, #tpu.memory_space<hbm>>
        %dma_wait3A_52 = tpu.memref_squeeze %dma_wait3A_51 : memref<1x128xi32, #tpu.memory_space<hbm>> -> memref<128xi32, #tpu.memory_space<hbm>>
        %dma_wait3A_53 = arith.constant 0 : i32
        %dma_wait3A_54 = tpu.memref_slice %arg3[%add3A_38, %dma_wait3A_53] : memref<512x128xi32, #tpu.memory_space<hbm>> -> memref<1x128xi32, #tpu.memory_space<hbm>>
        %dma_wait3A_55 = tpu.memref_squeeze %dma_wait3A_54 : memref<1x128xi32, #tpu.memory_space<hbm>> -> memref<128xi32, #tpu.memory_space<hbm>>
        tpu.wait_dma2 semaphore(%run_scoped3A : memref<!tpu.dma_semaphore, #tpu.memory_space<semaphore_mem>>) src(%dma_wait3A_55 : memref<128xi32, #tpu.memory_space<hbm>>) dst(%arg9 : memref<128xi32, #tpu.memory_space<vmem>>)
        tpu.yield
      }) : () -> ()
      %add3A_39 = arith.addi %select_n3A_8, %while3A_37 : i32
      "tpu.region"() ({
        %run_scoped3A = tpu.sem_alloc : memref<!tpu.dma_semaphore, #tpu.memory_space<semaphore_mem>>
        %dma_start3A_44 = arith.constant 0 : i32
        %dma_start3A_45 = tpu.memref_slice %arg4[%add3A_39, %dma_start3A_44] : memref<512x128xi32, #tpu.memory_space<hbm>> -> memref<1x128xi32, #tpu.memory_space<hbm>>
        %dma_start3A_46 = tpu.memref_squeeze %dma_start3A_45 : memref<1x128xi32, #tpu.memory_space<hbm>> -> memref<128xi32, #tpu.memory_space<hbm>>
        %dma_start3A_47 = arith.constant 0 : i32
        %dma_start3A_48 = tpu.memref_slice %arg4[%add3A_39, %dma_start3A_47] : memref<512x128xi32, #tpu.memory_space<hbm>> -> memref<1x128xi32, #tpu.memory_space<hbm>>
        %dma_start3A_49 = tpu.memref_squeeze %dma_start3A_48 : memref<1x128xi32, #tpu.memory_space<hbm>> -> memref<128xi32, #tpu.memory_space<hbm>>
        tpu.enqueue_dma source(%dma_start3A_49 : memref<128xi32, #tpu.memory_space<hbm>>) target(%arg10 : memref<128xi32, #tpu.memory_space<vmem>>) target_semaphore(%run_scoped3A : memref<!tpu.dma_semaphore, #tpu.memory_space<semaphore_mem>>)
        %dma_wait3A_50 = arith.constant 0 : i32
        %dma_wait3A_51 = tpu.memref_slice %arg4[%add3A_39, %dma_wait3A_50] : memref<512x128xi32, #tpu.memory_space<hbm>> -> memref<1x128xi32, #tpu.memory_space<hbm>>
        %dma_wait3A_52 = tpu.memref_squeeze %dma_wait3A_51 : memref<1x128xi32, #tpu.memory_space<hbm>> -> memref<128xi32, #tpu.memory_space<hbm>>
        %dma_wait3A_53 = arith.constant 0 : i32
        %dma_wait3A_54 = tpu.memref_slice %arg4[%add3A_39, %dma_wait3A_53] : memref<512x128xi32, #tpu.memory_space<hbm>> -> memref<1x128xi32, #tpu.memory_space<hbm>>
        %dma_wait3A_55 = tpu.memref_squeeze %dma_wait3A_54 : memref<1x128xi32, #tpu.memory_space<hbm>> -> memref<128xi32, #tpu.memory_space<hbm>>
        tpu.wait_dma2 semaphore(%run_scoped3A : memref<!tpu.dma_semaphore, #tpu.memory_space<semaphore_mem>>) src(%dma_wait3A_55 : memref<128xi32, #tpu.memory_space<hbm>>) dst(%arg10 : memref<128xi32, #tpu.memory_space<vmem>>)
        tpu.yield
      }) : () -> ()
      %dma_start3A = arith.constant 0 : i32
      %dma_start3A_40 = arith.constant 0 : i32
      %dma_start3A_41 = tpu.memref_slice %arg2[%dma_start3A, %dma_start3A_40] : memref<5000x128xf32, #tpu.memory_space<hbm>> -> memref<5000x128xf32, #tpu.memory_space<hbm>>
      tpu.enqueue_indirect_dma source(%dma_start3A_41 : memref<5000x128xf32, #tpu.memory_space<hbm>>) target(%arg11 : memref<128x128xf32, #tpu.memory_space<vmem>>) offsets(%arg9 : memref<128xi32, #tpu.memory_space<vmem>>) semaphore(%arg15 : memref<!tpu.dma_semaphore, #tpu.memory_space<semaphore_mem>>)
      %dma_wait3A = arith.constant 0 : i32
      %dma_wait3A_42 = arith.constant 0 : i32
      %dma_wait3A_43 = tpu.memref_slice %arg2[%dma_wait3A, %dma_wait3A_42] : memref<5000x128xf32, #tpu.memory_space<hbm>> -> memref<5000x128xf32, #tpu.memory_space<hbm>>
      tpu.wait_indirect_dma semaphore(%arg15 : memref<!tpu.dma_semaphore, #tpu.memory_space<semaphore_mem>>) src(%dma_wait3A_43 : memref<5000x128xf32, #tpu.memory_space<hbm>>) dst(%arg11 : memref<128x128xf32, #tpu.memory_space<vmem>>)
      "tpu.region"() ({
        %run_scoped3A = tpu.sem_alloc : memref<!tpu.dma_semaphore, #tpu.memory_space<semaphore_mem>>
        %dma_start3A_44 = arith.constant 0 : i32
        %dma_start3A_45 = arith.constant 0 : i32
        %dma_start3A_46 = tpu.memref_slice %arg13[%dma_start3A_44, %dma_start3A_45] : memref<1024x128xf32, #tpu.memory_space<vmem_shared>> -> memref<1024x128xf32, #tpu.memory_space<vmem_shared>>
        tpu.enqueue_indirect_dma source(%arg11 : memref<128x128xf32, #tpu.memory_space<vmem>>) target(%dma_start3A_46 : memref<1024x128xf32, #tpu.memory_space<vmem_shared>>) offsets(%arg10 : memref<128xi32, #tpu.memory_space<vmem>>) semaphore(%run_scoped3A : memref<!tpu.dma_semaphore, #tpu.memory_space<semaphore_mem>>) {add = true}
        %dma_wait3A_47 = arith.constant 0 : i32
        %dma_wait3A_48 = arith.constant 0 : i32
        %dma_wait3A_49 = tpu.memref_slice %arg13[%dma_wait3A_47, %dma_wait3A_48] : memref<1024x128xf32, #tpu.memory_space<vmem_shared>> -> memref<1024x128xf32, #tpu.memory_space<vmem_shared>>
        tpu.wait_indirect_dma semaphore(%run_scoped3A : memref<!tpu.dma_semaphore, #tpu.memory_space<semaphore_mem>>) src(%arg11 : memref<128x128xf32, #tpu.memory_space<vmem>>) dst(%dma_wait3A_49 : memref<1024x128xf32, #tpu.memory_space<vmem_shared>>)
        tpu.yield
      }) : () -> ()
      "tpu.region"() ({
        %run_scoped3A = tpu.sem_alloc : memref<!tpu.dma_semaphore, #tpu.memory_space<semaphore_mem>>
        %dma_start3A_44 = arith.constant 0 : i32
        %dma_start3A_45 = arith.constant 0 : i32
        %dma_start3A_46 = tpu.memref_slice %arg14[%dma_start3A_44, %dma_start3A_45] : memref<1024x128xf32, #tpu.memory_space<vmem_shared>> -> memref<1024x128xf32, #tpu.memory_space<vmem_shared>>
        tpu.enqueue_indirect_dma source(%arg12 : memref<128x128xf32, #tpu.memory_space<vmem>>) target(%dma_start3A_46 : memref<1024x128xf32, #tpu.memory_space<vmem_shared>>) offsets(%arg10 : memref<128xi32, #tpu.memory_space<vmem>>) semaphore(%run_scoped3A : memref<!tpu.dma_semaphore, #tpu.memory_space<semaphore_mem>>) {add = true}
        %dma_wait3A_47 = arith.constant 0 : i32
        %dma_wait3A_48 = arith.constant 0 : i32
        %dma_wait3A_49 = tpu.memref_slice %arg14[%dma_wait3A_47, %dma_wait3A_48] : memref<1024x128xf32, #tpu.memory_space<vmem_shared>> -> memref<1024x128xf32, #tpu.memory_space<vmem_shared>>
        tpu.wait_indirect_dma semaphore(%run_scoped3A : memref<!tpu.dma_semaphore, #tpu.memory_space<semaphore_mem>>) src(%arg12 : memref<128x128xf32, #tpu.memory_space<vmem>>) dst(%dma_wait3A_49 : memref<1024x128xf32, #tpu.memory_space<vmem_shared>>)
        tpu.yield
      }) : () -> ()
    }
    %barrier3A_22 = arith.constant 0 : index
    tpu.barrier barrier_id(%barrier3A_22)
    %mul3A_23 = arith.constant 64 : i32
    %mul3A_24 = arith.muli %arg1, %mul3A_23 : i32
    %mul3A_25 = arith.constant 1024 : i32
    %mul3A_26 = arith.muli %arg0, %mul3A_25 : i32
    %mul3A_27 = arith.constant 64 : i32
    %mul3A_28 = arith.muli %arg1, %mul3A_27 : i32
    %add3A_29 = arith.addi %mul3A_26, %mul3A_28 : i32
    "tpu.region"() ({
      %run_scoped3A = tpu.sem_alloc : memref<!tpu.dma_semaphore, #tpu.memory_space<semaphore_mem>>
      %dma_start3A = arith.constant 0 : i32
      %dma_start3A_37 = tpu.memref_slice %arg7[%add3A_29, %dma_start3A] : memref<2048x128xf32, #tpu.memory_space<hbm>> -> memref<64x128xf32, #tpu.memory_space<hbm>>
      %dma_start3A_38 = arith.constant 0 : i32
      %dma_start3A_39 = tpu.memref_slice %arg13[%mul3A_24, %dma_start3A_38] : memref<1024x128xf32, #tpu.memory_space<vmem_shared>> -> memref<64x128xf32, #tpu.memory_space<vmem_shared>>
      tpu.enqueue_dma source(%dma_start3A_39 : memref<64x128xf32, #tpu.memory_space<vmem_shared>>) target(%dma_start3A_37 : memref<64x128xf32, #tpu.memory_space<hbm>>) target_semaphore(%run_scoped3A : memref<!tpu.dma_semaphore, #tpu.memory_space<semaphore_mem>>)
      %dma_wait3A = arith.constant 0 : i32
      %dma_wait3A_40 = tpu.memref_slice %arg7[%add3A_29, %dma_wait3A] : memref<2048x128xf32, #tpu.memory_space<hbm>> -> memref<64x128xf32, #tpu.memory_space<hbm>>
      %dma_wait3A_41 = arith.constant 0 : i32
      %dma_wait3A_42 = tpu.memref_slice %arg13[%mul3A_24, %dma_wait3A_41] : memref<1024x128xf32, #tpu.memory_space<vmem_shared>> -> memref<64x128xf32, #tpu.memory_space<vmem_shared>>
      tpu.wait_dma2 semaphore(%run_scoped3A : memref<!tpu.dma_semaphore, #tpu.memory_space<semaphore_mem>>) src(%dma_wait3A_42 : memref<64x128xf32, #tpu.memory_space<vmem_shared>>) dst(%dma_wait3A_40 : memref<64x128xf32, #tpu.memory_space<hbm>>)
      tpu.yield
    }) : () -> ()
    %mul3A_30 = arith.constant 64 : i32
    %mul3A_31 = arith.muli %arg1, %mul3A_30 : i32
    %mul3A_32 = arith.constant 1024 : i32
    %mul3A_33 = arith.muli %arg0, %mul3A_32 : i32
    %mul3A_34 = arith.constant 64 : i32
    %mul3A_35 = arith.muli %arg1, %mul3A_34 : i32
    %add3A_36 = arith.addi %mul3A_33, %mul3A_35 : i32
    "tpu.region"() ({
      %run_scoped3A = tpu.sem_alloc : memref<!tpu.dma_semaphore, #tpu.memory_space<semaphore_mem>>
      %dma_start3A = arith.constant 0 : i32
      %dma_start3A_37 = tpu.memref_slice %arg8[%add3A_36, %dma_start3A] : memref<2048x128xf32, #tpu.memory_space<hbm>> -> memref<64x128xf32, #tpu.memory_space<hbm>>
      %dma_start3A_38 = arith.constant 0 : i32
      %dma_start3A_39 = tpu.memref_slice %arg14[%mul3A_31, %dma_start3A_38] : memref<1024x128xf32, #tpu.memory_space<vmem_shared>> -> memref<64x128xf32, #tpu.memory_space<vmem_shared>>
      tpu.enqueue_dma source(%dma_start3A_39 : memref<64x128xf32, #tpu.memory_space<vmem_shared>>) target(%dma_start3A_37 : memref<64x128xf32, #tpu.memory_space<hbm>>) target_semaphore(%run_scoped3A : memref<!tpu.dma_semaphore, #tpu.memory_space<semaphore_mem>>)
      %dma_wait3A = arith.constant 0 : i32
      %dma_wait3A_40 = tpu.memref_slice %arg8[%add3A_36, %dma_wait3A] : memref<2048x128xf32, #tpu.memory_space<hbm>> -> memref<64x128xf32, #tpu.memory_space<hbm>>
      %dma_wait3A_41 = arith.constant 0 : i32
      %dma_wait3A_42 = tpu.memref_slice %arg14[%mul3A_31, %dma_wait3A_41] : memref<1024x128xf32, #tpu.memory_space<vmem_shared>> -> memref<64x128xf32, #tpu.memory_space<vmem_shared>>
      tpu.wait_dma2 semaphore(%run_scoped3A : memref<!tpu.dma_semaphore, #tpu.memory_space<semaphore_mem>>) src(%dma_wait3A_42 : memref<64x128xf32, #tpu.memory_space<vmem_shared>>) dst(%dma_wait3A_40 : memref<64x128xf32, #tpu.memory_space<hbm>>)
      tpu.yield
    }) : () -> ()
    return
  }
}

module attributes {stable_mosaic.version = 14 : i64} {
  func.func @body(%arg0: memref<1000x128xf32, #tpu.memory_space<vmem>>, %arg1: memref<2048x128xf32, #tpu.memory_space<vmem>>, %arg2: memref<2048x128xf32, #tpu.memory_space<vmem>>, %arg3: memref<128x64xf32, #tpu.memory_space<vmem>>, %arg4: memref<128x64xf32, #tpu.memory_space<vmem>>, %arg5: memref<1x64xf32, #tpu.memory_space<vmem>>, %arg6: memref<1000x64xf32, #tpu.memory_space<vmem>>) attributes {dimension_semantics = [], scalar_prefetch = 0 : i64, scratch_operands = 0 : i64, tpu.core_type = #tpu.core_type<tc>} {
    %get3A = arith.constant 0 : index
    %get3A_0 = arith.constant 0 : index
    %get3A_1 = vector.load %arg1[%get3A, %get3A_0] : memref<2048x128xf32, #tpu.memory_space<vmem>>, vector<1000x128xf32>
    %get3A_2 = arith.constant 1024 : index
    %get3A_3 = arith.constant 0 : index
    %get3A_4 = vector.load %arg1[%get3A_2, %get3A_3] : memref<2048x128xf32, #tpu.memory_space<vmem>>, vector<1000x128xf32>
    %add3A = arith.addf %get3A_1, %get3A_4 : vector<1000x128xf32>
    %get3A_5 = arith.constant 0 : index
    %get3A_6 = arith.constant 0 : index
    %get3A_7 = vector.load %arg2[%get3A_5, %get3A_6] : memref<2048x128xf32, #tpu.memory_space<vmem>>, vector<1000x1xf32>
    %get3A_8 = arith.constant 1024 : index
    %get3A_9 = arith.constant 0 : index
    %get3A_10 = vector.load %arg2[%get3A_8, %get3A_9] : memref<2048x128xf32, #tpu.memory_space<vmem>>, vector<1000x1xf32>
    %add3A_11 = arith.addf %get3A_7, %get3A_10 : vector<1000x1xf32>
    %max3A = arith.constant 1.000000e+00 : f32
    %max3A_12 = vector.broadcast %max3A : f32 to vector<1000x1xf32>
    %max3A_13 = arith.maximumf %add3A_11, %max3A_12 : vector<1000x1xf32>
    %div3A = vector.broadcast %max3A_13 : vector<1000x1xf32> to vector<1000x128xf32>
    %div3A_14 = arith.divf %add3A, %div3A : vector<1000x128xf32>
    %get3A_15 = arith.constant 0 : index
    %get3A_16 = arith.constant 0 : index
    %get3A_17 = vector.load %arg0[%get3A_15, %get3A_16] : memref<1000x128xf32, #tpu.memory_space<vmem>>, vector<1000x128xf32>
    %get3A_18 = arith.constant 0 : index
    %get3A_19 = arith.constant 0 : index
    %get3A_20 = vector.load %arg3[%get3A_18, %get3A_19] : memref<128x64xf32, #tpu.memory_space<vmem>>, vector<128x64xf32>
    %dot_general3A = arith.constant dense<0.000000e+00> : vector<1000x64xf32>
    %dot_general3A_21 = tpu.matmul %get3A_17, %get3A_20, %dot_general3A {dimension_numbers = #tpu.dot_dimension_numbers<[1], [0], [0], [1], [0, 0, 1, 1], [], []>, precision = #tpu.contract_precision<fp32>, transpose_lhs_hint = false} : vector<1000x128xf32>, vector<128x64xf32>, vector<1000x64xf32> -> vector<1000x64xf32>
    %get3A_22 = arith.constant 0 : index
    %get3A_23 = arith.constant 0 : index
    %get3A_24 = vector.load %arg4[%get3A_22, %get3A_23] : memref<128x64xf32, #tpu.memory_space<vmem>>, vector<128x64xf32>
    %dot_general3A_25 = arith.constant dense<0.000000e+00> : vector<1000x64xf32>
    %dot_general3A_26 = tpu.matmul %div3A_14, %get3A_24, %dot_general3A_25 {dimension_numbers = #tpu.dot_dimension_numbers<[1], [0], [0], [1], [0, 0, 1, 1], [], []>, precision = #tpu.contract_precision<fp32>, transpose_lhs_hint = false} : vector<1000x128xf32>, vector<128x64xf32>, vector<1000x64xf32> -> vector<1000x64xf32>
    %add3A_27 = arith.addf %dot_general3A_21, %dot_general3A_26 : vector<1000x64xf32>
    %get3A_28 = arith.constant 0 : index
    %get3A_29 = arith.constant 0 : index
    %get3A_30 = vector.load %arg5[%get3A_28, %get3A_29] : memref<1x64xf32, #tpu.memory_space<vmem>>, vector<1x64xf32>
    %add3A_31 = vector.broadcast %get3A_30 : vector<1x64xf32> to vector<1000x64xf32>
    %add3A_32 = arith.addf %add3A_27, %add3A_31 : vector<1000x64xf32>
    %max3A_33 = arith.constant 0.000000e+00 : f32
    %max3A_34 = vector.broadcast %max3A_33 : f32 to vector<1000x64xf32>
    %max3A_35 = arith.maximumf %add3A_32, %max3A_34 : vector<1000x64xf32>
    %swap3A = arith.constant 0 : index
    %swap3A_36 = arith.constant 0 : index
    %swap3A_37 = vector.load %arg6[%swap3A, %swap3A_36] : memref<1000x64xf32, #tpu.memory_space<vmem>>, vector<1000x64xf32>
    tpu.vector_store %arg6[%swap3A, %swap3A_36], %max3A_35 {strides = array<i32>} : memref<1000x64xf32, #tpu.memory_space<vmem>>, vector<1000x64xf32>,
    return
  }
}

module attributes {stable_mosaic.version = 14 : i64} {
  func.func @body(%arg0: memref<5000x128xf32, #tpu.memory_space<vmem>>, %arg1: memref<10240x128xf32, #tpu.memory_space<vmem>>, %arg2: memref<10240x128xf32, #tpu.memory_space<vmem>>, %arg3: memref<128x128xf32, #tpu.memory_space<vmem>>, %arg4: memref<128x128xf32, #tpu.memory_space<vmem>>, %arg5: memref<1x128xf32, #tpu.memory_space<vmem>>, %arg6: memref<5000x128xf32, #tpu.memory_space<vmem>>) attributes {dimension_semantics = [], scalar_prefetch = 0 : i64, scratch_operands = 0 : i64, tpu.core_type = #tpu.core_type<tc>} {
    %get3A = arith.constant 0 : index
    %get3A_0 = arith.constant 0 : index
    %get3A_1 = vector.load %arg1[%get3A, %get3A_0] : memref<10240x128xf32, #tpu.memory_space<vmem>>, vector<5000x128xf32>
    %get3A_2 = arith.constant 5120 : index
    %get3A_3 = arith.constant 0 : index
    %get3A_4 = vector.load %arg1[%get3A_2, %get3A_3] : memref<10240x128xf32, #tpu.memory_space<vmem>>, vector<5000x128xf32>
    %add3A = arith.addf %get3A_1, %get3A_4 : vector<5000x128xf32>
    %get3A_5 = arith.constant 0 : index
    %get3A_6 = arith.constant 0 : index
    %get3A_7 = vector.load %arg2[%get3A_5, %get3A_6] : memref<10240x128xf32, #tpu.memory_space<vmem>>, vector<5000x1xf32>
    %get3A_8 = arith.constant 5120 : index
    %get3A_9 = arith.constant 0 : index
    %get3A_10 = vector.load %arg2[%get3A_8, %get3A_9] : memref<10240x128xf32, #tpu.memory_space<vmem>>, vector<5000x1xf32>
    %add3A_11 = arith.addf %get3A_7, %get3A_10 : vector<5000x1xf32>
    %max3A = arith.constant 1.000000e+00 : f32
    %max3A_12 = vector.broadcast %max3A : f32 to vector<5000x1xf32>
    %max3A_13 = arith.maximumf %add3A_11, %max3A_12 : vector<5000x1xf32>
    %div3A = vector.broadcast %max3A_13 : vector<5000x1xf32> to vector<5000x128xf32>
    %div3A_14 = arith.divf %add3A, %div3A : vector<5000x128xf32>
    %get3A_15 = arith.constant 0 : index
    %get3A_16 = arith.constant 0 : index
    %get3A_17 = vector.load %arg0[%get3A_15, %get3A_16] : memref<5000x128xf32, #tpu.memory_space<vmem>>, vector<5000x128xf32>
    %get3A_18 = arith.constant 0 : index
    %get3A_19 = arith.constant 0 : index
    %get3A_20 = vector.load %arg3[%get3A_18, %get3A_19] : memref<128x128xf32, #tpu.memory_space<vmem>>, vector<128x128xf32>
    %dot_general3A = arith.constant dense<0.000000e+00> : vector<5000x128xf32>
    %dot_general3A_21 = tpu.matmul %get3A_17, %get3A_20, %dot_general3A {dimension_numbers = #tpu.dot_dimension_numbers<[1], [0], [0], [1], [0, 0, 1, 1], [], []>, precision = #tpu.contract_precision<fp32>, transpose_lhs_hint = false} : vector<5000x128xf32>, vector<128x128xf32>, vector<5000x128xf32> -> vector<5000x128xf32>
    %get3A_22 = arith.constant 0 : index
    %get3A_23 = arith.constant 0 : index
    %get3A_24 = vector.load %arg4[%get3A_22, %get3A_23] : memref<128x128xf32, #tpu.memory_space<vmem>>, vector<128x128xf32>
    %dot_general3A_25 = arith.constant dense<0.000000e+00> : vector<5000x128xf32>
    %dot_general3A_26 = tpu.matmul %div3A_14, %get3A_24, %dot_general3A_25 {dimension_numbers = #tpu.dot_dimension_numbers<[1], [0], [0], [1], [0, 0, 1, 1], [], []>, precision = #tpu.contract_precision<fp32>, transpose_lhs_hint = false} : vector<5000x128xf32>, vector<128x128xf32>, vector<5000x128xf32> -> vector<5000x128xf32>
    %add3A_27 = arith.addf %dot_general3A_21, %dot_general3A_26 : vector<5000x128xf32>
    %get3A_28 = arith.constant 0 : index
    %get3A_29 = arith.constant 0 : index
    %get3A_30 = vector.load %arg5[%get3A_28, %get3A_29] : memref<1x128xf32, #tpu.memory_space<vmem>>, vector<1x128xf32>
    %add3A_31 = vector.broadcast %get3A_30 : vector<1x128xf32> to vector<5000x128xf32>
    %add3A_32 = arith.addf %add3A_27, %add3A_31 : vector<5000x128xf32>
    %max3A_33 = arith.constant 0.000000e+00 : f32
    %max3A_34 = vector.broadcast %max3A_33 : f32 to vector<5000x128xf32>
    %max3A_35 = arith.maximumf %add3A_32, %max3A_34 : vector<5000x128xf32>
    %swap3A = arith.constant 0 : index
    %swap3A_36 = arith.constant 0 : index
    %swap3A_37 = vector.load %arg6[%swap3A, %swap3A_36] : memref<5000x128xf32, #tpu.memory_space<vmem>>, vector<5000x128xf32>
    tpu.vector_store %arg6[%swap3A, %swap3A_36], %max3A_35 {strides = array<i32>} : memref<5000x128xf32, #tpu.memory_space<vmem>>, vector<5000x128xf32>,
    return
  }
}

</mosaic_0001>

<sc_bundles>
// kernel: kernel.6.cloned.1.call-start
scs
__scs_entry_jumppad:
0x0: {  	(pc) =	sbr.rel $0x88, $3  }
0x1: {  	(tag) =	ssettag $0x0;
	lr =	simm.s32 $0x1  }
0x2: {  	[smem:$0x3F98] =	sst lr;
	_ =	strace $0xD0000000  }
0x3: {  	_ = 	snop  }
0x4: {  	_ = 	snop  }
0x5: {  	_ = 	snop  }
0x6: {  	_ = 	snop  }
0x7: {  	_ = 	snop  }
__scs_overlays_trampoline_lowered:
0x8: {  	[smem:$0x3FA7] =	sst s0  }
0x9: {  	[smem:$0x3FA8] =	sst s1  }
0xa: {  	[smem:$0x3FA9] =	sst s2  }
0xb: {  	[smem:$0x3FAA] =	sst s3  }
0xc: {  	[smem:$0x3FAB] =	sst s4  }
0xd: {  	[smem:$0x3FAC] =	sst s5  }
0xe: {  	[smem:$0x3FAD] =	sst s6  }
0xf: {  	[smem:$0x3FAE] =	sst s7  }
0x10: {  	[smem:$0x3FAF] =	sst s8  }
0x11: {  	[smem:$0x3FB0] =	sst s9;
	s0 =	simm.s32 @!p0 $0x0  }
0x12: {  	s1 =	sld [smem:$0x3F96];
	s0 =	simm.s32 @p0 $0x1  }
0x13: {  	[smem:$0x3FB1] =	sst s0;
	s0 =	simm.s32 @!p1 $0x0  }
0x14: {  	s2 =	sld [smem:$0x3F95];
	s0 =	simm.s32 @p1 $0x1  }
0x15: {  	[smem:$0x3FB2] =	sst s0;
	s0 =	simm.s32 @!p2 $0x0  }
0x16: {  	s3 =	sld [smem:$0x3FDB];
	s0 =	simm.s32 @p2 $0x1  }
0x17: {  	s4 =	simm.s32 $0x1BF5;
	[smem:$0x3FB4] =	sst s0  }
0x18: {  	s0 =	sld [smem:$0x3F97];
	_ =	swait.ge [sflag:s4], $0x0  }
0x19: {  	s7 =	sld [smem:$0x3F98]  }
0x1a: {  	s8 =	sadd.s32 $0xFFFFE003, lr  }
0x1b: {  	s9 =	sadd.s32 $0xFFFFFEF7, lr;
	s5 =	simm.s32 $0xFFFFFFFF;
	p2 =	slt.u32 s8, $0xFFFFF086  }
0x1c: {  	p1 =	slt.u32 s9, $0xF7A;
	s5 =	simm.s32 @!p2 $0x0  }
0x1d: {  	s5 =	simm.s32 @p1 $0x1;
	p0 =	seq.s32 s7, s2  }
0x1e: {  	s7 =	smul.u32 @!p0 $0xF7A, s2;
	p2 =	seq.s32 @!p0 s5, $0x0  }
0x1f: {  	s9 =	smul.u32 $0xF7A, s1;
	s8 =	simm.s32 @!p0 $0x1BF5;
	p2 =	por !p2, p0  }
0x20: {  	[sflag:s8] =	ssyncset.s32 @!p0 $0xFFFFF086;
	s6 =	sadd.s32 @!p0 s3, s7;
	s7 =	simm.s32 @!p0 $0x108  }
0x21: {  	s3 =	sadd.s32 s3, s9;
	s6 =	sadd.s32 @!p0 $0x88, s6;
	s7 =	simm.s32 @p2 $0x1082  }
0x22: {  	[simem:s7], [sflag:s8] =	dma.local @!p0 [hbm:s6], $0xF7A  }
0x23: {  	s9 =	sor.u32 $0xD0000000, s2;
	s6 =	simm.s32 $0x108;
	_ =	swait.ge @!p0 [sflag:s8], $0x0  }
0x24: {  	s3 =	sadd.s32 $0x88, s3;
	s6 =	simm.s32 @!p1 $0x1082;
	[sflag:s4] =	ssyncset.s32 $0xFFFFF086  }
0x25: {  	[simem:s6], [sflag:s4] =	dma.local [hbm:s3], $0xF7A  }
0x26: {  	[smem:$0x3F98] =	sst s1;
	(tag) =	ssettag s2;
	_ =	strace s9  }
0x27: {  	s1 =	sld [smem:$0x3FA8]  }
0x28: {  	s2 =	sld [smem:$0x3FA9]  }
0x29: {  	s4 =	sld [smem:$0x3FAB]  }
0x2a: {  	p0 =	seq.s32 s5, $0x0;
	s5 =	sld [smem:$0x3FAC]  }
0x2b: {  	s6 =	sld [smem:$0x3FAD]  }
0x2c: {  	s7 =	sld [smem:$0x3FAE]  }
0x2d: {  	s3 =	simm.s32 $0x108;
	s8 =	sld [smem:$0x3FAF]  }
0x2e: {  	s3 =	simm.s32 @!p0 $0x1082;
	s9 =	sld [smem:$0x3FB0]  }
0x2f: {  	lr =	sadd.s32 s0, s3;
	s0 =	sld [smem:$0x3FA7]  }
0x30: {  	s3 =	sld [smem:$0x3FAA]  }
0x31: {  	[smem:$0x3FB3] =	sst s10  }
0x32: {  	s10 =	sld [smem:$0x3FB1];
	_ =	sdelay $0x3  }
0x33: {  	p0 =	seq.s32 s10, $0x1;
	s10 =	sld [smem:$0x3FB3];
	_ =	sdelay $0x3  }
0x34: {  	[smem:$0x3FB3] =	sst s10  }
0x35: {  	s10 =	sld [smem:$0x3FB2];
	_ =	sdelay $0x3  }
0x36: {  	p1 =	seq.s32 s10, $0x1;
	s10 =	sld [smem:$0x3FB3];
	_ =	sdelay $0x3  }
0x37: {  	[smem:$0x3FB3] =	sst s10  }
0x38: {  	s10 =	sld [smem:$0x3FB4]  }
0x39: {  	_ = 	snop;
	(pc) =	sbr.ind lr, $3  }
0x3a: {  	_ = 	snop  }
0x3b: {  	_ = 	snop  }
0x3c: {  	p2 =	seq.s32 s10, $0x1;
	s10 =	sld [smem:$0x3FB3]  }
0x3d: {  	_ =	shalt  }
0x3e: {  	_ =	shalt  }
0x3f: {  	_ =	shalt  }
0x40: {  	_ =	shalt  }
0x41: {  	_ =	shalt  }
0x42: {  	_ =	shalt  }
0x43: {  	_ =	shalt  }
0x44: {  	_ =	shalt  }
0x45: {  	_ =	shalt  }
0x46: {  	_ =	shalt  }
0x47: {  	_ =	shalt  }
0x48: {  	_ =	shalt  }
0x49: {  	_ =	shalt  }
0x4a: {  	_ =	shalt  }
0x4b: {  	_ =	shalt  }
0x4c: {  	_ =	shalt  }
0x4d: {  	_ =	shalt  }
0x4e: {  	_ =	shalt  }
0x4f: {  	_ =	shalt  }
0x50: {  	_ =	shalt  }
0x51: {  	_ =	shalt  }
0x52: {  	_ =	shalt  }
0x53: {  	_ =	shalt  }
0x54: {  	_ =	shalt  }
0x55: {  	_ =	shalt  }
0x56: {  	_ =	shalt  }
0x57: {  	_ =	shalt  }
0x58: {  	_ =	shalt  }
0x59: {  	_ =	shalt  }
0x5a: {  	_ =	shalt  }
0x5b: {  	_ =	shalt  }
0x5c: {  	_ =	shalt  }
0x5d: {  	_ =	shalt  }
0x5e: {  	_ =	shalt  }
0x5f: {  	_ =	shalt  }
0x60: {  	_ =	shalt  }
0x61: {  	_ =	shalt  }
0x62: {  	_ =	shalt  }
0x63: {  	_ =	shalt  }
0x64: {  	_ =	shalt  }
0x65: {  	_ =	shalt  }
0x66: {  	_ =	shalt  }
0x67: {  	_ =	shalt  }
0x68: {  	_ =	shalt  }
0x69: {  	_ =	shalt  }
0x6a: {  	_ =	shalt  }
0x6b: {  	_ =	shalt  }
0x6c: {  	_ =	shalt  }
0x6d: {  	_ =	shalt  }
0x6e: {  	_ =	shalt  }
0x6f: {  	_ =	shalt  }
0x70: {  	_ =	shalt  }
0x71: {  	_ =	shalt  }
0x72: {  	_ =	shalt  }
0x73: {  	_ =	shalt  }
0x74: {  	_ =	shalt  }
0x75: {  	_ =	shalt  }
0x76: {  	_ =	shalt  }
0x77: {  	_ =	shalt  }
0x78: {  	_ =	shalt  }
0x79: {  	_ =	shalt  }
0x7a: {  	_ =	shalt  }
0x7b: {  	_ =	shalt  }
0x7c: {  	_ =	shalt  }
0x7d: {  	_ =	shalt  }
0x7e: {  	_ =	shalt  }
0x7f: {  	_ =	shalt  }
0x80: {  	_ =	shalt  }
0x81: {  	_ =	shalt  }
0x82: {  	_ =	shalt  }
0x83: {  	_ =	shalt  }
0x84: {  	_ =	shalt  }
0x85: {  	_ =	shalt  }
0x86: {  	_ =	shalt  }
0x87: {  	_ =	shalt  }
.Lfunc_end0:
.L_simem_size_0:
called_computation_lowered:
.L_overlay_start_0:
0x88: {  	s2 =	sld [smem:$0x3FD9]  }
0x89: {  	s3 =	sld [smem:$0x3FFE];
	_ =	sdelay $0x1  }
0x8a: {  	s1 =	srdreg.scid  }
0x8b: {  	s0 =	sand.u32 $0x1, s1  }
0x8c: {  	s17 =	sshll.u32 s0, $0xA;
	s2 =	sadd.s32 s3, s2  }
0x8d: {  	s2 =	sadd.s32 s2, s17  }
0x8e: {  	[smem:$0x3FBF] =	sst s2  }
0x8f: {  	_ = 	snop  }
0x90: {  	s2 =	sld [smem:$0x3FC9];
	(tm) =	ssettm $0x1  }
0x91: {  	s18 =	sld [smem:$0x3FFB];
	_ =	sdelay $0x3  }
0x92: {  	_ =	strace s18  }
0x93: {  	s3 =	sld [smem:$0x3FFC];
	_ =	sdelay $0x3  }
0x94: {  	_ =	strace s3  }
0x95: {  	s3 =	sld [smem:$0x3FFD];
	_ =	sdelay $0x3  }
0x96: {  	_ =	strace s3  }
0x97: {  	_ =	strace $0x8FFFFFFF  }
0x98: {  	s19 =	sld [smem:$0x3FDB];
	_ =	sdelay $0x1  }
0x99: {  	s4 =	simm.s32 $_scs_section_size  }
0x9a: {  	s5 =	simm.s32 $_size__tile_overlayer_lowered;
	s6 =	simm.s32 $_tile_overlayer_lowered  }
0x9b: {  	s22 =	simm.s32 $0x1BFF;
	s21 =	sshll.u32 s6, $0x1;
	s3 =	sadd.s32 s4, s19  }
0x9c: {  	s7 =	simm.s32 $0x0;
	s20 =	sshll.u32 s5, $0x1;
	s5 =	sadd.s32 s21, s3  }
0x9d: {  	[timem:s7], [sflag:s22] =	dma.local [hbm:s5], s20  }
0x9e: {  	_ =	swait.ge [sflag:s22], s20  }
0x9f: {  	s4 =	ssub.s32 $0x0, s20;
	[sflag:s22] =	ssyncset.done $0x0  }
0xa0: {  	[sflag:s22] =	ssyncadd.s32 s4;
	_ =	sdelay $0x1  }
0xa1: {  	s23 =	simm.s32 $0x1B8B  }
0xa2: {  	_ =	swait.ge [sflag:s23], $0x1  }
0xa3: {  	[sflag:s23] =	ssyncset.done $0x0  }
0xa4: {  	s25 =	simm.s32 $0x1B8E;
	s24 =	sld [smem:$0x3FFE];
	[sflag:s23] =	ssyncadd.s32 $0xFFFFFFFF  }
0xa5: {  	s26 =	simm.s32 $execute0_lowered;
	[smem:$0x3FD2] =	sst s25  }
0xa6: {  	s5 =	sshll.u32 s26, $0x1;
	_ =	strace $0x80000046;
	[dreg:$0x1] =	wrdreg $0xFFFFFFFF  }
0xa7: {  	s28 =	simm.s32 $_size_execute0_lowered;
	s3 =	sadd.s32 s3, s5;
	[dreg:$0x0] =	wrdreg $0x0  }
0xa8: {  	s5 =	sshll.u32 s28, $0x1;
	[dreg:$0x2] =	wrdreg s3  }
0xa9: {  	[dreg:$0x3] =	wrdreg s5  }
0xaa: {  	[dreg:$0x4] =	wrdreg $0xC0  }
0xab: {  	_ =	task [dreg:s7], $0x5FFFF  }
0xac: {  	[dreg:$0x1] =	wrdreg $0xFFFFFFFF  }
0xad: {  	[dreg:$0x0] =	wrdreg $0x60  }
0xae: {  	[dreg:$0x2] =	wrdreg s2  }
0xaf: {  	[dreg:$0x3] =	wrdreg s24  }
0xb0: {  	[dreg:$0x4] =	wrdreg $0x81000  }
0xb1: {  	[dreg:$0x5] =	wrdreg $0x121000  }
0xb2: {  	[dreg:$0x6] =	wrdreg $0x9  }
0xb3: {  	_ =	task.clear_ibuf [dreg:s7], $0x7FFFF;
	_ =	strace $0x90000046  }
0xb4: {  	s29 =	simm.s32 $0x9;
	_ =	strace $0x80000048  }
0xb5: {  	_ =	swait.ge [sflag:s29], $0x1  }
0xb6: {  	[sflag:s29] =	ssyncadd.s32 $0xFFFFFFFF  }
0xb7: {  	_ =	strace $0x90000048  }
0xb8: {  	_ =	sfence  }
0xb9: {  	s30 =	sld [smem:$0x0];
	_ =	sdelay $0x2  }
0xba: {  	s31 =	sshll.u32 s1, $0xD;
	s1 =	sshrl.u32 s1, $0x2  }
0xbb: {  	s3 =	sand.u32 $0x4000, s31;
	s1 =	sadd.s32 s1, s30  }
0xbc: {  	s0 =	sor.u32 s3, s0;
	s1 =	sshll.u32 s1, $0x11  }
0xbd: {  	s0 =	sor.u32 s1, s0  }
0xbe: {  	s0 =	sadd.s32 $0x8F2B, s0  }
0xbf: {  	[sflag:s0] =	ssyncadd.remote.s32 $0x1  }
0xc0: {  	_ =	sfence.sel $0xFFFF  }
0xc1: {  	[dreg:$0x0] =	wrdreg $0xFFFFFFFF;
	(pc) =	sbr.abs _section_cstart, $3  }
0xc2: {  	[dreg:$0x1] =	wrdreg $0xFFFFFFFF  }
0xc3: {  	_ =	task.clear_ibuf [dreg:s7], $0x2FFFF;
	_ =	strace $0x9FFFFFFF  }
0xc4: {  	(tm) =	ssettm $0x7FFFFFFF  }
0xc5: {  	_ =	shalt  }
tec
execute0_lowered:
.L_overlay_start_1:
0x0: {  	(tag) =	ssettag $0x1  }
0x1: {  	s1 =	rddreg [dreg:$0x0]  }
0x2: {  	s8 =	rddreg [dreg:$0x1]  }
0x3: {  	s2 =	rddreg [dreg:$0x2];
	s0 =	stileid.u32  }
0x4: {  	s3 =	srdreg.scid;
	s4 =	rddreg [dreg:$0x3]  }
0x5: {  	s14 =	simm.s32 $0x4100;
	s15 =	simm.s32 $0x2;
	s5 =	smul.u32 $0x63, s0  }
0x6: {  	s19 =	simm.s32 $0x80;
	s20 =	simm.s32 $0x100;
	s6 =	smul.u32 $0x3A, s0  }
0x7: {  	s21 =	simm.s32 $0x1;
	s22 =	simm.s32 $0x0;
	s10 =	smul.u32 $0x140, s0  }
0x8: {  	s9 =	sand.u32 $0x1, s3;
	s3 =	rddreg [dreg:$0x4];
	s12 =	smul.u32 $0xA000, s0  }
0x9: {  	s16 =	sshll.u32 s0, $0x6;
	p0 =	seq.s32 s9, $0x0;
	s11 =	smul.u32 $0x1400, s9  }
0xa: {  	s9 =	ssub.s32 $0x2, s9;
	s16 =	sor.u32 $0x1C02, s16;
	s7 =	sadd.s32 $0x3A0, s5  }
0xb: {  	s5 =	simm.s32 $0x0;
	s31 =	sshrl.u32 s9, $0x1;
	s17 =	sadd.s32 s12, s2  }
0xc: {  	s18 =	sadd.s32 s12, s4;
	s7 =	smov.u32 @p0 s6;
	[smem:$0x7FF] =	sst s5  }
0xd: {  	s10 =	sadd.s32 s10, s11;
	s11 =	ssub.s32 s9, s31;
	s17 =	sshrl.u32 s17, $0x3  }
0xe: {  	s18 =	sshrl.u32 s18, $0x3;
	s6 =	sshll.u32 s7, $0x4;
	_ =	strace $0x80000047  }
0xf: {  	s7 =	sadd.s32 $0x17C00, s8;
	s10 =	sshll.u32 s10, $0x4;
	s13 =	sadd.s32 s6, s8  }
0x10: {  	s6 =	sadd.s32 $0x18400, s8;
	s10 =	sadd.s32 s10, s8;
	s8 =	simm.s32 $0x3A  }
0x11: {  	s11 =	smax.u32 s11, $0x1;
	s8 =	simm.s32 @!p0 $0x63;
	s9 =	sadd.s32 $0x19800, s10  }
0x12: {  	s10 =	sadd.s32 $0x41800, s10;
	s12 =	sadd.s32 $0xDE00, s13;
	s13 =	sadd.s32 $0x4000, s13  }
.LBB2_1:
0x13: {  	[tilespmem:s14], [sflag:$0x2] =	stream.linear.gather [hbm4b:s7+s5], $0x4000, $0x38;
	[tilespmem:$0x1C100] =	vst v63  }
0x14: {  	_ =	swait.ge [sflag:s15], $0x4000  }
0x15: {  	[sflag:s15] =	ssyncset.done $0x0  }
0x16: {  	[sflag:s15] =	ssyncadd.s32 $0xFFFFC000  }
0x17: {  	[spmem:s17], [sflag:s16] =	dma.local [hbm:s6], $0x1400  }
0x18: {  	_ =	swait.ge [sflag:s15], $0x1400  }
0x19: {  	[sflag:s15] =	ssyncset.done $0x0  }
0x1a: {  	[sflag:s15] =	ssyncadd.s32 $0xFFFFEC00  }
0x1b: {  	[spmem:s18], [sflag:s16] =	dma.local [hbm:s6], $0x1400  }
0x1c: {  	_ =	swait.ge [sflag:s15], $0x1400  }
0x1d: {  	[sflag:s15] =	ssyncset.done $0x0  }
0x1e: {  	[sflag:s15] =	ssyncadd.s32 $0xFFFFEC00  }
0x1f: {  	[bflag:$0x0] =	sbarrier.arrive $0xFFFF  }
0x20: {  	[tilespmem:s5], [sflag:$0x2] =	stream.linear.gather [hbm4b:s13+s5], $0x80, $0x38;
	[tilespmem:$0x1C100] =	vst v63  }
0x21: {  	_ =	swait.ge [sflag:s15], $0x80  }
0x22: {  	[sflag:s15] =	ssyncset.done $0x0  }
0x23: {  	[sflag:s15] =	ssyncadd.s32 $0xFFFFFF80  }
0x24: {  	[tilespmem:s19], [sflag:$0x2] =	stream.linear.gather [hbm4b:s12+s5], $0x80, $0x38;
	[tilespmem:$0x1C100] =	vst v63  }
0x25: {  	_ =	swait.ge [sflag:s15], $0x80  }
0x26: {  	[sflag:s15] =	ssyncset.done $0x0  }
0x27: {  	[sflag:s15] =	ssyncadd.s32 $0xFFFFFF80  }
0x28: {  	[tilespmem:s20], [sflag:$0x1] =	stream.indirect.gather [hbm4b:s1+s19], $0x80, s5, s19, $0xb8;
	[tilespmem:$0x1C100] =	vst v63  }
0x29: {  	_ =	swait.ge [sflag:s21], $0x4000  }
0x2a: {  	[sflag:s21] =	ssyncset.done $0x0  }
0x2b: {  	[sflag:s21] =	ssyncadd.s32 $0xFFFFC000  }
0x2c: {  	[spmem:s2] =	stream.indirect.scatter.add.f32 [tilespmem:s20], [sflag:$0x2], $0x80, s19, s19, $0xb8;
	[tilespmem:$0x1C100] =	vst v63  }
0x2d: {  	p0 =	sne.s32 s8, $0x1;
	_ =	swait.ge [sflag:s15], $0x4000  }
.Ltmp0:
0x2e: {  	[sflag:s15] =	ssyncset.done $0x0;
	(pc) =	sbr.rel @!p0 .LBB2_3-.Ltmp0, $4  }
0x2f: {  	[sflag:s15] =	ssyncadd.s32 $0xFFFFC000  }
0x30: {  	[spmem:s4] =	stream.indirect.scatter.add.f32 [tilespmem:s14], [sflag:$0x2], $0x80, s19, s19, $0xb8;
	[tilespmem:$0x1C100] =	vst v63  }
0x31: {  	s23 =	sadd.s32 $0xFFFFFFFF, s8;
	_ =	swait.ge [sflag:s15], $0x4000  }
0x32: {  	s24 =	smov.u32 s12;
	s25 =	smov.u32 s13;
	[sflag:s15] =	ssyncset.done $0x0  }
.LBB2_2:
0x33: {  	[sflag:s15] =	ssyncadd.s32 $0xFFFFC000;
	s24 =	sadd.s32 $0x10, s24;
	s25 =	sadd.s32 $0x10, s25  }
0x34: {  	[tilespmem:s5], [sflag:$0x2] =	stream.linear.gather [hbm4b:s25+s5], $0x80, $0x38;
	[tilespmem:$0x1C100] =	vst v63  }
0x35: {  	p0 =	sne.s32 s23, $0x1;
	s23 =	sadd.s32 $0xFFFFFFFF, s23;
	_ =	swait.ge [sflag:s15], $0x80  }
0x36: {  	[sflag:s15] =	ssyncset.done $0x0  }
0x37: {  	[sflag:s15] =	ssyncadd.s32 $0xFFFFFF80  }
0x38: {  	[tilespmem:s19], [sflag:$0x2] =	stream.linear.gather [hbm4b:s24+s5], $0x80, $0x38;
	[tilespmem:$0x1C100] =	vst v63  }
0x39: {  	_ =	swait.ge [sflag:s15], $0x80  }
0x3a: {  	[sflag:s15] =	ssyncset.done $0x0  }
0x3b: {  	[sflag:s15] =	ssyncadd.s32 $0xFFFFFF80  }
0x3c: {  	[tilespmem:s20], [sflag:$0x1] =	stream.indirect.gather [hbm4b:s1+s19], $0x80, s5, s19, $0xb8;
	[tilespmem:$0x1C100] =	vst v63  }
0x3d: {  	_ =	swait.ge [sflag:s21], $0x4000  }
0x3e: {  	[sflag:s21] =	ssyncset.done $0x0  }
0x3f: {  	[sflag:s21] =	ssyncadd.s32 $0xFFFFC000  }
0x40: {  	[spmem:s2] =	stream.indirect.scatter.add.f32 [tilespmem:s20], [sflag:$0x2], $0x80, s19, s19, $0xb8;
	[tilespmem:$0x1C100] =	vst v63  }
0x41: {  	_ =	swait.ge [sflag:s15], $0x4000  }
.Ltmp1:
0x42: {  	[sflag:s15] =	ssyncset.done $0x0;
	(pc) =	sbr.rel @p0 .LBB2_2-.Ltmp1, $4  }
0x43: {  	[sflag:s15] =	ssyncadd.s32 $0xFFFFC000  }
0x44: {  	[spmem:s4] =	stream.indirect.scatter.add.f32 [tilespmem:s14], [sflag:$0x2], $0x80, s19, s19, $0xb8;
	[tilespmem:$0x1C100] =	vst v63  }
0x45: {  	_ =	swait.ge [sflag:s15], $0x4000  }
0x46: {  	[sflag:s15] =	ssyncset.done $0x0  }
.LBB2_3:
0x47: {  	[sflag:s15] =	ssyncadd.s32 $0xFFFFC000  }
0x48: {  	[bflag:$0x0] =	sbarrier.arrive $0xFFFF  }
0x49: {  	[hbm:s9], [sflag:s16] =	dma.local [spmem:s17], $0x1400  }
0x4a: {  	s22 =	sadd.s32 $0x1, s22;
	_ =	swait.ge [sflag:s15], $0x1400  }
0x4b: {  	p0 =	sne.s32 s22, s11;
	[sflag:s15] =	ssyncset.done $0x0  }
.Ltmp2:
0x4c: {  	[sflag:s15] =	ssyncadd.s32 $0xFFFFEC00;
	(pc) =	sbr.rel @p0 .LBB2_1-.Ltmp2, $4  }
0x4d: {  	[hbm:s10], [sflag:s16] =	dma.local [spmem:s18], $0x1400  }
0x4e: {  	_ =	swait.ge [sflag:s15], $0x1400  }
0x4f: {  	[sflag:s15] =	ssyncset.done $0x0  }
0x50: {  	[sflag:s15] =	ssyncadd.s32 $0xFFFFEC00  }
0x51: {  	_ =	sfence.sel $0x180000  }
0x52: {  	[bflag:$0x0] =	sbarrier.arrive $0xFFFF  }
0x53: {  	p0 =	sne.s32 s0, $0x0;
	_ =	strace $0x90000047  }
0x54: {  	s0 =	sadd.s32 @!p0 $0x100000, s3;
	[bflag:$0x2] =	sbarrier.arrive $0xFFFF  }
0x55: {  	[sflag:s0] =	ssyncadd.tile.s32 @!p0 $0x1;
	_ =	shalt  }
.Lfunc_end2:
_tile_overlayer_lowered:
.L_overlay_start_2:
0x56: {  	(tag) =	ssettag $0x2  }
0x57: {  	s0 =	rddreg [dreg:$0x0];
	s2 =	stileid.u32  }
0x58: {  	s1 =	rddreg [dreg:$0x1];
	p0 =	sne.s32 s2, $0x0  }
0x59: {  	s3 =	rddreg [dreg:$0x2];
	[bflag:$0x3] =	sbarrier.arrive $0xFFFF;
	s2 =	simm.s32 @!p0 $0x1C02  }
0x5a: {  	[timem:s3], [sflag:s2] =	dma.local @!p0 [hbm:s0], s1  }
0x5b: {  	s0 =	simm.s32 @!p0 $0x2  }
0x5c: {  	_ =	swait.ge @!p0 [sflag:s0], s1  }
0x5d: {  	s1 =	ssub.s32 @!p0 $0x0, s1;
	[sflag:s0] =	ssyncset.done @!p0 $0x0  }
0x5e: {  	[sflag:s0] =	ssyncadd.s32 @!p0 s1  }
0x5f: {  	[bflag:$0x3] =	sbarrier.arrive $0xFFFF  }
0x60: {  	_ =	shalt  }

// kernel: kernel.9.cloned.1.call-start
scs
__scs_entry_jumppad:
0x0: {  	(pc) =	sbr.rel $0x88, $3  }
0x1: {  	(tag) =	ssettag $0x0;
	lr =	simm.s32 $0x1  }
0x2: {  	[smem:$0x3F98] =	sst lr;
	_ =	strace $0xD0000000  }
0x3: {  	_ = 	snop  }
0x4: {  	_ = 	snop  }
0x5: {  	_ = 	snop  }
0x6: {  	_ = 	snop  }
0x7: {  	_ = 	snop  }
__scs_overlays_trampoline_lowered:
0x8: {  	[smem:$0x3FA7] =	sst s0  }
0x9: {  	[smem:$0x3FA8] =	sst s1  }
0xa: {  	[smem:$0x3FA9] =	sst s2  }
0xb: {  	[smem:$0x3FAA] =	sst s3  }
0xc: {  	[smem:$0x3FAB] =	sst s4  }
0xd: {  	[smem:$0x3FAC] =	sst s5  }
0xe: {  	[smem:$0x3FAD] =	sst s6  }
0xf: {  	[smem:$0x3FAE] =	sst s7  }
0x10: {  	[smem:$0x3FAF] =	sst s8  }
0x11: {  	[smem:$0x3FB0] =	sst s9;
	s0 =	simm.s32 @!p0 $0x0  }
0x12: {  	s1 =	sld [smem:$0x3F96];
	s0 =	simm.s32 @p0 $0x1  }
0x13: {  	[smem:$0x3FB1] =	sst s0;
	s0 =	simm.s32 @!p1 $0x0  }
0x14: {  	s2 =	sld [smem:$0x3F95];
	s0 =	simm.s32 @p1 $0x1  }
0x15: {  	[smem:$0x3FB2] =	sst s0;
	s0 =	simm.s32 @!p2 $0x0  }
0x16: {  	s3 =	sld [smem:$0x3FDB];
	s0 =	simm.s32 @p2 $0x1  }
0x17: {  	s4 =	simm.s32 $0x1BF5;
	[smem:$0x3FB4] =	sst s0  }
0x18: {  	s0 =	sld [smem:$0x3F97];
	_ =	swait.ge [sflag:s4], $0x0  }
0x19: {  	s7 =	sld [smem:$0x3F98]  }
0x1a: {  	s8 =	sadd.s32 $0xFFFFE003, lr  }
0x1b: {  	s9 =	sadd.s32 $0xFFFFFEF7, lr;
	s5 =	simm.s32 $0xFFFFFFFF;
	p2 =	slt.u32 s8, $0xFFFFF086  }
0x1c: {  	p1 =	slt.u32 s9, $0xF7A;
	s5 =	simm.s32 @!p2 $0x0  }
0x1d: {  	s5 =	simm.s32 @p1 $0x1;
	p0 =	seq.s32 s7, s2  }
0x1e: {  	s7 =	smul.u32 @!p0 $0xF7A, s2;
	p2 =	seq.s32 @!p0 s5, $0x0  }
0x1f: {  	s9 =	smul.u32 $0xF7A, s1;
	s8 =	simm.s32 @!p0 $0x1BF5;
	p2 =	por !p2, p0  }
0x20: {  	[sflag:s8] =	ssyncset.s32 @!p0 $0xFFFFF086;
	s6 =	sadd.s32 @!p0 s3, s7;
	s7 =	simm.s32 @!p0 $0x108  }
0x21: {  	s3 =	sadd.s32 s3, s9;
	s6 =	sadd.s32 @!p0 $0x88, s6;
	s7 =	simm.s32 @p2 $0x1082  }
0x22: {  	[simem:s7], [sflag:s8] =	dma.local @!p0 [hbm:s6], $0xF7A  }
0x23: {  	s9 =	sor.u32 $0xD0000000, s2;
	s6 =	simm.s32 $0x108;
	_ =	swait.ge @!p0 [sflag:s8], $0x0  }
0x24: {  	s3 =	sadd.s32 $0x88, s3;
	s6 =	simm.s32 @!p1 $0x1082;
	[sflag:s4] =	ssyncset.s32 $0xFFFFF086  }
0x25: {  	[simem:s6], [sflag:s4] =	dma.local [hbm:s3], $0xF7A  }
0x26: {  	[smem:$0x3F98] =	sst s1;
	(tag) =	ssettag s2;
	_ =	strace s9  }
0x27: {  	s1 =	sld [smem:$0x3FA8]  }
0x28: {  	s2 =	sld [smem:$0x3FA9]  }
0x29: {  	s4 =	sld [smem:$0x3FAB]  }
0x2a: {  	p0 =	seq.s32 s5, $0x0;
	s5 =	sld [smem:$0x3FAC]  }
0x2b: {  	s6 =	sld [smem:$0x3FAD]  }
0x2c: {  	s7 =	sld [smem:$0x3FAE]  }
0x2d: {  	s3 =	simm.s32 $0x108;
	s8 =	sld [smem:$0x3FAF]  }
0x2e: {  	s3 =	simm.s32 @!p0 $0x1082;
	s9 =	sld [smem:$0x3FB0]  }
0x2f: {  	lr =	sadd.s32 s0, s3;
	s0 =	sld [smem:$0x3FA7]  }
0x30: {  	s3 =	sld [smem:$0x3FAA]  }
0x31: {  	[smem:$0x3FB3] =	sst s10  }
0x32: {  	s10 =	sld [smem:$0x3FB1];
	_ =	sdelay $0x3  }
0x33: {  	p0 =	seq.s32 s10, $0x1;
	s10 =	sld [smem:$0x3FB3];
	_ =	sdelay $0x3  }
0x34: {  	[smem:$0x3FB3] =	sst s10  }
0x35: {  	s10 =	sld [smem:$0x3FB2];
	_ =	sdelay $0x3  }
0x36: {  	p1 =	seq.s32 s10, $0x1;
	s10 =	sld [smem:$0x3FB3];
	_ =	sdelay $0x3  }
0x37: {  	[smem:$0x3FB3] =	sst s10  }
0x38: {  	s10 =	sld [smem:$0x3FB4]  }
0x39: {  	_ = 	snop;
	(pc) =	sbr.ind lr, $3  }
0x3a: {  	_ = 	snop  }
0x3b: {  	_ = 	snop  }
0x3c: {  	p2 =	seq.s32 s10, $0x1;
	s10 =	sld [smem:$0x3FB3]  }
0x3d: {  	_ =	shalt  }
0x3e: {  	_ =	shalt  }
0x3f: {  	_ =	shalt  }
0x40: {  	_ =	shalt  }
0x41: {  	_ =	shalt  }
0x42: {  	_ =	shalt  }
0x43: {  	_ =	shalt  }
0x44: {  	_ =	shalt  }
0x45: {  	_ =	shalt  }
0x46: {  	_ =	shalt  }
0x47: {  	_ =	shalt  }
0x48: {  	_ =	shalt  }
0x49: {  	_ =	shalt  }
0x4a: {  	_ =	shalt  }
0x4b: {  	_ =	shalt  }
0x4c: {  	_ =	shalt  }
0x4d: {  	_ =	shalt  }
0x4e: {  	_ =	shalt  }
0x4f: {  	_ =	shalt  }
0x50: {  	_ =	shalt  }
0x51: {  	_ =	shalt  }
0x52: {  	_ =	shalt  }
0x53: {  	_ =	shalt  }
0x54: {  	_ =	shalt  }
0x55: {  	_ =	shalt  }
0x56: {  	_ =	shalt  }
0x57: {  	_ =	shalt  }
0x58: {  	_ =	shalt  }
0x59: {  	_ =	shalt  }
0x5a: {  	_ =	shalt  }
0x5b: {  	_ =	shalt  }
0x5c: {  	_ =	shalt  }
0x5d: {  	_ =	shalt  }
0x5e: {  	_ =	shalt  }
0x5f: {  	_ =	shalt  }
0x60: {  	_ =	shalt  }
0x61: {  	_ =	shalt  }
0x62: {  	_ =	shalt  }
0x63: {  	_ =	shalt  }
0x64: {  	_ =	shalt  }
0x65: {  	_ =	shalt  }
0x66: {  	_ =	shalt  }
0x67: {  	_ =	shalt  }
0x68: {  	_ =	shalt  }
0x69: {  	_ =	shalt  }
0x6a: {  	_ =	shalt  }
0x6b: {  	_ =	shalt  }
0x6c: {  	_ =	shalt  }
0x6d: {  	_ =	shalt  }
0x6e: {  	_ =	shalt  }
0x6f: {  	_ =	shalt  }
0x70: {  	_ =	shalt  }
0x71: {  	_ =	shalt  }
0x72: {  	_ =	shalt  }
0x73: {  	_ =	shalt  }
0x74: {  	_ =	shalt  }
0x75: {  	_ =	shalt  }
0x76: {  	_ =	shalt  }
0x77: {  	_ =	shalt  }
0x78: {  	_ =	shalt  }
0x79: {  	_ =	shalt  }
0x7a: {  	_ =	shalt  }
0x7b: {  	_ =	shalt  }
0x7c: {  	_ =	shalt  }
0x7d: {  	_ =	shalt  }
0x7e: {  	_ =	shalt  }
0x7f: {  	_ =	shalt  }
0x80: {  	_ =	shalt  }
0x81: {  	_ =	shalt  }
0x82: {  	_ =	shalt  }
0x83: {  	_ =	shalt  }
0x84: {  	_ =	shalt  }
0x85: {  	_ =	shalt  }
0x86: {  	_ =	shalt  }
0x87: {  	_ =	shalt  }
.Lfunc_end0:
.L_simem_size_0:
called_computation.1_lowered:
.L_overlay_start_0:
0x88: {  	s2 =	sld [smem:$0x3FD9]  }
0x89: {  	s3 =	sld [smem:$0x3FFE];
	_ =	sdelay $0x1  }
0x8a: {  	s1 =	srdreg.scid  }
0x8b: {  	s0 =	sand.u32 $0x1, s1  }
0x8c: {  	s17 =	sshll.u32 s0, $0xA;
	s2 =	sadd.s32 s3, s2  }
0x8d: {  	s2 =	sadd.s32 s2, s17  }
0x8e: {  	[smem:$0x3FBF] =	sst s2  }
0x8f: {  	_ = 	snop  }
0x90: {  	s2 =	sld [smem:$0x3FD0];
	(tm) =	ssettm $0x1  }
0x91: {  	s18 =	sld [smem:$0x3FFB];
	_ =	sdelay $0x3  }
0x92: {  	_ =	strace s18  }
0x93: {  	s3 =	sld [smem:$0x3FFC];
	_ =	sdelay $0x3  }
0x94: {  	_ =	strace s3  }
0x95: {  	s3 =	sld [smem:$0x3FFD];
	_ =	sdelay $0x3  }
0x96: {  	_ =	strace s3  }
0x97: {  	_ =	strace $0x8FFFFFFF  }
0x98: {  	s19 =	sld [smem:$0x3FDB];
	_ =	sdelay $0x1  }
0x99: {  	s4 =	simm.s32 $_scs_section_size  }
0x9a: {  	s5 =	simm.s32 $_size__tile_overlayer_lowered;
	s6 =	simm.s32 $_tile_overlayer_lowered  }
0x9b: {  	s22 =	simm.s32 $0x1BFF;
	s21 =	sshll.u32 s6, $0x1;
	s3 =	sadd.s32 s4, s19  }
0x9c: {  	s7 =	simm.s32 $0x0;
	s20 =	sshll.u32 s5, $0x1;
	s5 =	sadd.s32 s21, s3  }
0x9d: {  	[timem:s7], [sflag:s22] =	dma.local [hbm:s5], s20  }
0x9e: {  	_ =	swait.ge [sflag:s22], s20  }
0x9f: {  	s4 =	ssub.s32 $0x0, s20;
	[sflag:s22] =	ssyncset.done $0x0  }
0xa0: {  	[sflag:s22] =	ssyncadd.s32 s4;
	_ =	sdelay $0x1  }
0xa1: {  	s23 =	simm.s32 $0x1B8B  }
0xa2: {  	_ =	swait.ge [sflag:s23], $0x1  }
0xa3: {  	[sflag:s23] =	ssyncset.done $0x0  }
0xa4: {  	s25 =	simm.s32 $0x1B8E;
	s24 =	sld [smem:$0x3FFE];
	[sflag:s23] =	ssyncadd.s32 $0xFFFFFFFF  }
0xa5: {  	s26 =	simm.s32 $execute0_lowered;
	[smem:$0x3FD2] =	sst s25  }
0xa6: {  	s5 =	sshll.u32 s26, $0x1;
	_ =	strace $0x80000049;
	[dreg:$0x1] =	wrdreg $0xFFFFFFFF  }
0xa7: {  	s28 =	simm.s32 $_size_execute0_lowered;
	s3 =	sadd.s32 s3, s5;
	[dreg:$0x0] =	wrdreg $0x0  }
0xa8: {  	s5 =	sshll.u32 s28, $0x1;
	[dreg:$0x2] =	wrdreg s3  }
0xa9: {  	[dreg:$0x3] =	wrdreg s5  }
0xaa: {  	[dreg:$0x4] =	wrdreg $0xC0  }
0xab: {  	_ =	task [dreg:s7], $0x5FFFF  }
0xac: {  	[dreg:$0x1] =	wrdreg $0xFFFFFFFF  }
0xad: {  	[dreg:$0x0] =	wrdreg $0x60  }
0xae: {  	[dreg:$0x2] =	wrdreg s24  }
0xaf: {  	[dreg:$0x3] =	wrdreg s2  }
0xb0: {  	[dreg:$0x4] =	wrdreg $0x81000  }
0xb1: {  	[dreg:$0x5] =	wrdreg $0xA1000  }
0xb2: {  	[dreg:$0x6] =	wrdreg $0x9  }
0xb3: {  	_ =	task.clear_ibuf [dreg:s7], $0x7FFFF;
	_ =	strace $0x90000049  }
0xb4: {  	s29 =	simm.s32 $0x9;
	_ =	strace $0x8000004B  }
0xb5: {  	_ =	swait.ge [sflag:s29], $0x1  }
0xb6: {  	[sflag:s29] =	ssyncadd.s32 $0xFFFFFFFF  }
0xb7: {  	_ =	strace $0x9000004B  }
0xb8: {  	_ =	sfence  }
0xb9: {  	s30 =	sld [smem:$0x0];
	_ =	sdelay $0x2  }
0xba: {  	s31 =	sshll.u32 s1, $0xD;
	s1 =	sshrl.u32 s1, $0x2  }
0xbb: {  	s3 =	sand.u32 $0x4000, s31;
	s1 =	sadd.s32 s1, s30  }
0xbc: {  	s0 =	sor.u32 s3, s0;
	s1 =	sshll.u32 s1, $0x11  }
0xbd: {  	s0 =	sor.u32 s1, s0  }
0xbe: {  	s0 =	sadd.s32 $0x8F2B, s0  }
0xbf: {  	[sflag:s0] =	ssyncadd.remote.s32 $0x1  }
0xc0: {  	_ =	sfence.sel $0xFFFF  }
0xc1: {  	[dreg:$0x0] =	wrdreg $0xFFFFFFFF;
	(pc) =	sbr.abs _section_cstart, $3  }
0xc2: {  	[dreg:$0x1] =	wrdreg $0xFFFFFFFF  }
0xc3: {  	_ =	task.clear_ibuf [dreg:s7], $0x2FFFF;
	_ =	strace $0x9FFFFFFF  }
0xc4: {  	(tm) =	ssettm $0x7FFFFFFF  }
0xc5: {  	_ =	shalt  }
tec
execute0_lowered:
.L_overlay_start_1:
0x0: {  	(tag) =	ssettag $0x1  }
0x1: {  	s10 =	rddreg [dreg:$0x0]  }
0x2: {  	s1 =	rddreg [dreg:$0x1]  }
0x3: {  	s2 =	rddreg [dreg:$0x2]  }
0x4: {  	s3 =	rddreg [dreg:$0x3]  }
0x5: {  	s0 =	rddreg [dreg:$0x4]  }
0x6: {  	s5 =	simm.s32 $0x0;
	s6 =	srdreg.scid;
	s4 =	stileid.u32  }
0x7: {  	s19 =	simm.s32 $0x80;
	s20 =	simm.s32 $0x100;
	s21 =	simm.s32 $0x1  }
0x8: {  	s22 =	simm.s32 $0x0;
	[smem:$0x7FF] =	sst s5;
	s12 =	sand.u32 $0x1, s6  }
0x9: {  	s6 =	sadd.s32 $0x4000, s10;
	s11 =	sshll.u32 s4, $0xD;
	s7 =	sadd.s32 $0x69800, s10  }
0xa: {  	s31 =	sshll.u32 s4, $0x8;
	s16 =	sshll.u32 s4, $0x6;
	_ =	strace $0x8000004A  }
0xb: {  	s8 =	sshll.u32 s12, $0x11;
	s13 =	ssub.s32 $0x2, s12;
	s17 =	sadd.s32 s11, s2  }
0xc: {  	s18 =	sadd.s32 s11, s3;
	s30 =	sshll.u32 s12, $0xC;
	s16 =	sor.u32 $0x1C02, s16  }
0xd: {  	s9 =	sor.u32 s11, s8;
	s8 =	sadd.s32 $0x18400, s10;
	s15 =	sshrl.u32 s13, $0x1  }
0xe: {  	s17 =	sshrl.u32 s17, $0x3;
	s18 =	sshrl.u32 s18, $0x3;
	s14 =	sshrl.u32 s9, $0x3  }
0xf: {  	s9 =	sadd.s32 $0x17C00, s10;
	s13 =	ssub.s32 s13, s15;
	s15 =	simm.s32 $0x2  }
0x10: {  	s14 =	sadd.s32 s14, s10;
	s12 =	smax.u32 s13, $0x1;
	s13 =	sor.u32 s31, s30  }
0x11: {  	s10 =	sadd.s32 $0x18800, s14;
	s11 =	sadd.s32 $0x20800, s14;
	s14 =	simm.s32 $0x4100  }
.LBB2_1:
0x12: {  	[tilespmem:s14], [sflag:$0x2] =	stream.linear.gather [hbm4b:s9+s5], $0x4000, $0x38;
	[tilespmem:$0xC100] =	vst v63  }
0x13: {  	_ =	swait.ge [sflag:s15], $0x4000  }
0x14: {  	[sflag:s15] =	ssyncset.done $0x0  }
0x15: {  	[sflag:s15] =	ssyncadd.s32 $0xFFFFC000  }
0x16: {  	[spmem:s17], [sflag:s16] =	dma.local [hbm:s8], $0x400  }
0x17: {  	_ =	swait.ge [sflag:s15], $0x400  }
0x18: {  	[sflag:s15] =	ssyncset.done $0x0  }
0x19: {  	[sflag:s15] =	ssyncadd.s32 $0xFFFFFC00  }
0x1a: {  	[spmem:s18], [sflag:s16] =	dma.local [hbm:s8], $0x400  }
0x1b: {  	s23 =	sadd.s32 $0x0, s13;
	_ =	swait.ge [sflag:s15], $0x400  }
0x1c: {  	s24 =	sand.u32 $0x70, s5;
	s23 =	sand.u32 $0x1F80, s23;
	[sflag:s15] =	ssyncset.done $0x0  }
0x1d: {  	s23 =	sor.u32 s24, s23;
	[sflag:s15] =	ssyncadd.s32 $0xFFFFFC00  }
0x1e: {  	s24 =	sadd.s32 s1, s23;
	[bflag:$0x0] =	sbarrier.arrive $0xFFFF  }
0x1f: {  	[tilespmem:s5], [sflag:$0x2] =	stream.linear.gather [hbm4b:s24+s5], $0x80, $0x38;
	[tilespmem:$0xC100] =	vst v63  }
0x20: {  	_ =	swait.ge [sflag:s15], $0x80  }
0x21: {  	[sflag:s15] =	ssyncset.done $0x0  }
0x22: {  	s23 =	sadd.s32 s7, s23;
	[sflag:s15] =	ssyncadd.s32 $0xFFFFFF80  }
0x23: {  	[tilespmem:s19], [sflag:$0x2] =	stream.linear.gather [hbm4b:s23+s5], $0x80, $0x38;
	[tilespmem:$0xC100] =	vst v63  }
0x24: {  	_ =	swait.ge [sflag:s15], $0x80  }
0x25: {  	[sflag:s15] =	ssyncset.done $0x0  }
0x26: {  	[sflag:s15] =	ssyncadd.s32 $0xFFFFFF80  }
0x27: {  	[tilespmem:s20], [sflag:$0x1] =	stream.indirect.gather [hbm4b:s6+s19], $0x80, s5, s19, $0xb8;
	[tilespmem:$0xC100] =	vst v63  }
0x28: {  	_ =	swait.ge [sflag:s21], $0x4000  }
0x29: {  	[sflag:s21] =	ssyncset.done $0x0  }
0x2a: {  	[sflag:s21] =	ssyncadd.s32 $0xFFFFC000  }
0x2b: {  	[spmem:s2] =	stream.indirect.scatter.add.f32 [tilespmem:s20], [sflag:$0x2], $0x80, s19, s19, $0xb8;
	[tilespmem:$0xC100] =	vst v63  }
0x2c: {  	_ =	swait.ge [sflag:s15], $0x4000  }
0x2d: {  	[sflag:s15] =	ssyncset.done $0x0  }
0x2e: {  	s30 =	simm.s32 $0x10;
	s31 =	sadd.s32 $0x10, s13;
	[sflag:s15] =	ssyncadd.s32 $0xFFFFC000  }
0x2f: {  	[spmem:s3] =	stream.indirect.scatter.add.f32 [tilespmem:s14], [sflag:$0x2], $0x80, s19, s19, $0xb8;
	[tilespmem:$0xC100] =	vst v63  }
0x30: {  	s25 =	sand.u32 $0x1F80, s31;
	s23 =	sand.u32 $0x70, s30;
	_ =	swait.ge [sflag:s15], $0x4000  }
0x31: {  	s24 =	simm.s32 $0x20;
	s23 =	sor.u32 s23, s25;
	[sflag:s15] =	ssyncset.done $0x0  }
.LBB2_2:
0x32: {  	s25 =	sadd.s32 s1, s23  }
0x33: {  	[sflag:s15] =	ssyncadd.s32 $0xFFFFC000;
	s26 =	smov.u32 s24;
	s28 =	sadd.s32 $0x10, s24  }
0x34: {  	[tilespmem:s5], [sflag:$0x2] =	stream.linear.gather [hbm4b:s25+s5], $0x80, $0x38;
	[tilespmem:$0xC100] =	vst v63  }
0x35: {  	p0 =	sne.s32 s24, $0xF0;
	_ =	swait.ge [sflag:s15], $0x80  }
0x36: {  	[sflag:s15] =	ssyncset.done $0x0  }
0x37: {  	s23 =	sadd.s32 s7, s23;
	[sflag:s15] =	ssyncadd.s32 $0xFFFFFF80  }
0x38: {  	[tilespmem:s19], [sflag:$0x2] =	stream.linear.gather [hbm4b:s23+s5], $0x80, $0x38;
	[tilespmem:$0xC100] =	vst v63  }
0x39: {  	_ =	swait.ge [sflag:s15], $0x80  }
0x3a: {  	[sflag:s15] =	ssyncset.done $0x0  }
0x3b: {  	[sflag:s15] =	ssyncadd.s32 $0xFFFFFF80  }
0x3c: {  	[tilespmem:s20], [sflag:$0x1] =	stream.indirect.gather [hbm4b:s6+s19], $0x80, s5, s19, $0xb8;
	[tilespmem:$0xC100] =	vst v63  }
0x3d: {  	_ =	swait.ge [sflag:s21], $0x4000  }
0x3e: {  	[sflag:s21] =	ssyncset.done $0x0  }
0x3f: {  	[sflag:s21] =	ssyncadd.s32 $0xFFFFC000  }
0x40: {  	[spmem:s2] =	stream.indirect.scatter.add.f32 [tilespmem:s20], [sflag:$0x2], $0x80, s19, s19, $0xb8;
	[tilespmem:$0xC100] =	vst v63  }
0x41: {  	_ =	swait.ge [sflag:s15], $0x4000  }
.Ltmp0:
0x42: {  	[sflag:s15] =	ssyncset.done $0x0;
	(pc) =	sbr.rel @p0 .LBB2_2-.Ltmp0, $4  }
0x43: {  	s23 =	sadd.s32 s26, s13;
	[sflag:s15] =	ssyncadd.s32 $0xFFFFC000  }
0x44: {  	[spmem:s3] =	stream.indirect.scatter.add.f32 [tilespmem:s14], [sflag:$0x2], $0x80, s19, s19, $0xb8;
	[tilespmem:$0xC100] =	vst v63  }
0x45: {  	s24 =	sand.u32 $0x70, s26;
	s23 =	sand.u32 $0x1F80, s23;
	_ =	swait.ge [sflag:s15], $0x4000  }
0x46: {  	s23 =	sor.u32 s24, s23;
	s24 =	smov.u32 s28;
	[sflag:s15] =	ssyncset.done $0x0  }
0x47: {  	s24 =	sadd.s32 s1, s23;
	[sflag:s15] =	ssyncadd.s32 $0xFFFFC000  }
0x48: {  	[tilespmem:s5], [sflag:$0x2] =	stream.linear.gather [hbm4b:s24+s5], $0x80, $0x38;
	[tilespmem:$0xC100] =	vst v63  }
0x49: {  	_ =	swait.ge [sflag:s15], $0x80  }
0x4a: {  	[sflag:s15] =	ssyncset.done $0x0  }
0x4b: {  	s31 =	sadd.s32 s7, s23;
	[sflag:s15] =	ssyncadd.s32 $0xFFFFFF80  }
0x4c: {  	[tilespmem:s19], [sflag:$0x2] =	stream.linear.gather [hbm4b:s31+s5], $0x80, $0x38;
	[tilespmem:$0xC100] =	vst v63  }
0x4d: {  	_ =	swait.ge [sflag:s15], $0x80  }
0x4e: {  	[sflag:s15] =	ssyncset.done $0x0  }
0x4f: {  	[sflag:s15] =	ssyncadd.s32 $0xFFFFFF80  }
0x50: {  	[tilespmem:s20], [sflag:$0x1] =	stream.indirect.gather [hbm4b:s6+s19], $0x80, s5, s19, $0xb8;
	[tilespmem:$0xC100] =	vst v63  }
0x51: {  	_ =	swait.ge [sflag:s21], $0x4000  }
0x52: {  	[sflag:s21] =	ssyncset.done $0x0  }
0x53: {  	[sflag:s21] =	ssyncadd.s32 $0xFFFFC000  }
0x54: {  	[spmem:s2] =	stream.indirect.scatter.add.f32 [tilespmem:s20], [sflag:$0x2], $0x80, s19, s19, $0xb8;
	[tilespmem:$0xC100] =	vst v63  }
0x55: {  	_ =	swait.ge [sflag:s15], $0x4000  }
0x56: {  	[sflag:s15] =	ssyncset.done $0x0  }
0x57: {  	[sflag:s15] =	ssyncadd.s32 $0xFFFFC000  }
0x58: {  	[spmem:s3] =	stream.indirect.scatter.add.f32 [tilespmem:s14], [sflag:$0x2], $0x80, s19, s19, $0xb8;
	[tilespmem:$0xC100] =	vst v63  }
0x59: {  	_ =	swait.ge [sflag:s15], $0x4000  }
0x5a: {  	[sflag:s15] =	ssyncset.done $0x0  }
0x5b: {  	[sflag:s15] =	ssyncadd.s32 $0xFFFFC000  }
0x5c: {  	[bflag:$0x0] =	sbarrier.arrive $0xFFFF  }
0x5d: {  	[hbm:s10], [sflag:s16] =	dma.local [spmem:s17], $0x400  }
0x5e: {  	s22 =	sadd.s32 $0x1, s22;
	_ =	swait.ge [sflag:s15], $0x400  }
0x5f: {  	p0 =	sne.s32 s22, s12;
	[sflag:s15] =	ssyncset.done $0x0  }
.Ltmp1:
0x60: {  	[sflag:s15] =	ssyncadd.s32 $0xFFFFFC00;
	(pc) =	sbr.rel @p0 .LBB2_1-.Ltmp1, $4  }
0x61: {  	[hbm:s11], [sflag:s16] =	dma.local [spmem:s18], $0x400  }
0x62: {  	_ =	swait.ge [sflag:s15], $0x400  }
0x63: {  	[sflag:s15] =	ssyncset.done $0x0  }
0x64: {  	[sflag:s15] =	ssyncadd.s32 $0xFFFFFC00  }
0x65: {  	_ =	sfence.sel $0x180000  }
0x66: {  	[bflag:$0x0] =	sbarrier.arrive $0xFFFF  }
0x67: {  	p0 =	sne.s32 s4, $0x0;
	_ =	strace $0x9000004A  }
0x68: {  	s0 =	sadd.s32 @!p0 $0x100000, s0;
	[bflag:$0x2] =	sbarrier.arrive $0xFFFF  }
0x69: {  	[sflag:s0] =	ssyncadd.tile.s32 @!p0 $0x1;
	_ =	shalt  }
.Lfunc_end2:
_tile_overlayer_lowered:
.L_overlay_start_2:
0x6a: {  	(tag) =	ssettag $0x2  }
0x6b: {  	s0 =	rddreg [dreg:$0x0];
	s2 =	stileid.u32  }
0x6c: {  	s1 =	rddreg [dreg:$0x1];
	p0 =	sne.s32 s2, $0x0  }
0x6d: {  	s3 =	rddreg [dreg:$0x2];
	[bflag:$0x3] =	sbarrier.arrive $0xFFFF;
	s2 =	simm.s32 @!p0 $0x1C02  }
0x6e: {  	[timem:s3], [sflag:s2] =	dma.local @!p0 [hbm:s0], s1  }
0x6f: {  	s0 =	simm.s32 @!p0 $0x2  }
0x70: {  	_ =	swait.ge @!p0 [sflag:s0], s1  }
0x71: {  	s1 =	ssub.s32 @!p0 $0x0, s1;
	[sflag:s0] =	ssyncset.done @!p0 $0x0  }
0x72: {  	[sflag:s0] =	ssyncadd.s32 @!p0 s1  }
0x73: {  	[bflag:$0x3] =	sbarrier.arrive $0xFFFF  }
0x74: {  	_ =	shalt  }

</sc_bundles>
